<compile_context>
chip_gen: v7x
topology: tpu7x:2x2x1
jax: 0.10.2.dev20260603
libtpu: 0.0.44.dev20260713+nightly
codegen_flags: <defaults>
</compile_context>

<pallas_src>
import functools

import jax
import jax.numpy as jnp
from jax import lax
from jax.experimental import pallas as pl
from jax.experimental.pallas import tpu as pltpu
from jax.experimental.pallas import tpu_sc as plsc

_NC = 2
_NS = 16
_NW = _NC * _NS
_BATCH = 128
_NBUF = 2
_DEGW = 128
_NORMW = 16
_RB = 512



def _build_deg_kernel(npad, nb, rows_pt):
    mesh = plsc.VectorSubcoreMesh(core_axis_name="c", subcore_axis_name="s")

    @functools.partial(
        pl.kernel,
        mesh=mesh,
        out_type=jax.ShapeDtypeStruct((_NC, npad, _DEGW), jnp.float32),
        scratch_types=[
            pltpu.VMEM((nb, _BATCH), jnp.int32),
            pltpu.VMEM((_BATCH, _DEGW), jnp.float32),
            pltpu.VMEM_SHARED((npad, _DEGW), jnp.float32),
            pltpu.SemaphoreType.DMA,
        ],
    )
    def deg_kernel(dst_hbm, ones_hbm, zeros_hbm, out_hbm, dst_v, ones_v, acc, sem):
        c = lax.axis_index("c")
        s = lax.axis_index("s")
        wid = c * _NS + s
        r0 = s * rows_pt
        pltpu.sync_copy(zeros_hbm.at[pl.ds(r0, rows_pt)], acc.at[pl.ds(r0, rows_pt)])
        pltpu.sync_copy(ones_hbm, ones_v)
        pltpu.sync_copy(dst_hbm.at[wid], dst_v)
        plsc.subcore_barrier()

        win = 4

        def body(b, carry):
            pltpu.async_copy(ones_v, acc.at[dst_v.at[b]], sem, add=True)

            @pl.when(b >= win)
            def _():
                pltpu.make_async_copy(ones_v, acc.at[dst_v.at[0]], sem).wait()

            return carry

        lax.fori_loop(0, nb, body, 0)

        def drain(b, carry):
            pltpu.make_async_copy(ones_v, acc.at[dst_v.at[0]], sem).wait()
            return carry

        lax.fori_loop(0, min(win, nb), drain, 0)
        plsc.subcore_barrier()
        pltpu.sync_copy(acc.at[pl.ds(r0, rows_pt)], out_hbm.at[c, pl.ds(r0, rows_pt)])

    return deg_kernel


def _build_agg_kernel(npad, d, nb, rows_pt):
    mesh = plsc.VectorSubcoreMesh(core_axis_name="c", subcore_axis_name="s")

    nchunk = 2
    cb = nb // nchunk
    assert nb % nchunk == 0 and cb % 8 == 0 and cb % _NBUF == 0

    @functools.partial(
        pl.kernel,
        mesh=mesh,
        out_type=jax.ShapeDtypeStruct((_NC, npad, d), jnp.float32),
        scratch_types=[
            pltpu.VMEM((cb, _BATCH), jnp.int32),
            pltpu.VMEM((cb, _BATCH), jnp.int32),
            [pltpu.VMEM((_BATCH, d), jnp.float32) for _ in range(_NBUF)],
            pltpu.VMEM_SHARED((npad, d), jnp.float32),
            [pltpu.SemaphoreType.DMA for _ in range(_NBUF)],
        ],
    )
    def agg_kernel(src_hbm, dst_hbm, h_hbm, zeros_hbm, out_hbm,
                   src_v, dst_v, rows, acc, sems):
        c = lax.axis_index("c")
        s = lax.axis_index("s")
        wid = c * _NS + s
        r0 = s * rows_pt
        pltpu.sync_copy(zeros_hbm.at[pl.ds(r0, rows_pt)], acc.at[pl.ds(r0, rows_pt)])
        plsc.subcore_barrier()

        for h in range(nchunk):
            pltpu.sync_copy(src_hbm.at[wid, pl.ds(h * cb, cb)], src_v)
            pltpu.sync_copy(dst_hbm.at[wid, pl.ds(h * cb, cb)], dst_v)
            for j in range(_NBUF):
                pltpu.async_copy(h_hbm.at[src_v.at[j]], rows[j], sems[j])

            def body(i, carry):
                for j in range(_NBUF):
                    b = _NBUF * i + j
                    pltpu.make_async_copy(
                        h_hbm.at[src_v.at[b]], rows[j], sems[j]).wait()
                    pltpu.sync_copy(rows[j], acc.at[dst_v.at[b]], add=True)

                    @pl.when(b + _NBUF < cb)
                    def _():
                        pltpu.async_copy(
                            h_hbm.at[src_v.at[b + _NBUF]], rows[j], sems[j])

                return carry

            lax.fori_loop(0, cb // _NBUF, body, 0)

        plsc.subcore_barrier()
        pltpu.sync_copy(acc.at[pl.ds(r0, rows_pt)], out_hbm.at[c, pl.ds(r0, rows_pt)])

    return agg_kernel



def _norm_from_deg(deg_ref):
    d = deg_ref[0, :, 0:1] + deg_ref[1, :, 0:1]
    return jnp.where(d > 0.0, lax.rsqrt(d), 0.0)


def _tc1_body(deg_ref, feat_ref, lam_ref, h1_ref, n16_ref):
    norm = _norm_from_deg(deg_ref)
    h1_ref[...] = feat_ref[...] * (norm * lam_ref[0, 0])
    n16_ref[...] = jnp.broadcast_to(norm, (norm.shape[0], _NORMW))


def _tc2_body(n16_ref, s1_ref, feat_ref, lam_ref, g1_ref, h2_ref):
    norm = n16_ref[:, 0:1]
    g1 = (s1_ref[0] + s1_ref[1]) * norm
    g1_ref[...] = g1
    h2_ref[...] = (g1 - feat_ref[...]) * (norm * lam_ref[0, 0])


def _tc3_body(n16_ref, feat_ref, g1_ref, s2_ref, a_ref, b_ref, c_ref,
              bias_ref, out_ref):
    norm = n16_ref[:, 0:1]
    t = (s2_ref[0] + s2_ref[1]) * norm
    acc = jnp.dot(feat_ref[...], a_ref[...], preferred_element_type=jnp.float32)
    acc = acc + jnp.dot(g1_ref[...], b_ref[...], preferred_element_type=jnp.float32)
    acc = acc + jnp.dot(t, c_ref[...], preferred_element_type=jnp.float32)
    out_ref[...] = acc + bias_ref[0:1, :]


def _deg_spec():
    return pl.BlockSpec((_NC, _RB, _DEGW), lambda i: (0, i, 0))


def _row_spec(d):
    return pl.BlockSpec((_RB, d), lambda i: (i, 0))


def _part_spec(d):
    return pl.BlockSpec((_NC, _RB, d), lambda i: (0, i, 0))


def _full_spec(shape):
    return pl.BlockSpec(shape, lambda i: tuple(0 for _ in shape))



def kernel(feat, edge_index, lambda_max, W0, W1, W2, bias):
    n, d = feat.shape
    e = edge_index.shape[1]

    npad = -(-(n + 8) // (_NW * 8)) * (_NW * 8)
    rows_pt = npad // _NS
    nb = -(-e // (_NW * _BATCH))
    nb = -(-nb // 16) * 16
    ept = nb * _BATCH
    epad = _NW * ept

    src = edge_index[0]
    dst = edge_index[1]
    pad_src = jnp.arange(epad - e, dtype=jnp.int32) % min(n, _BATCH)
    srcp = jnp.concatenate([src, pad_src]).reshape(_NW, nb, _BATCH)
    pad_span = max(1, min(_BATCH, npad - n))
    pad_dst = n + (jnp.arange(epad - e, dtype=jnp.int32) % pad_span)
    dstp = jnp.concatenate([dst, pad_dst]).reshape(_NW, nb, _BATCH)
    featp = jnp.zeros((npad, d), jnp.float32).at[:n, :].set(feat)

    zeros_deg = jnp.zeros((npad, _DEGW), jnp.float32)
    zeros_row = jnp.zeros((npad, d), jnp.float32)
    ones_deg = jnp.ones((_BATCH, _DEGW), jnp.float32)
    lam = jnp.full((8, 128), 2.0 / lambda_max, jnp.float32)

    deg_k = _build_deg_kernel(npad, nb, rows_pt)
    agg_k = _build_agg_kernel(npad, d, nb, rows_pt)

    degp = deg_k(dstp, ones_deg, zeros_deg)

    grid = npad // _RB
    h1, norm16 = pl.pallas_call(
        _tc1_body,
        grid=(grid,),
        in_specs=[_deg_spec(), _row_spec(d), _full_spec((8, 128))],
        out_specs=[_row_spec(d), _row_spec(_NORMW)],
        out_shape=[jax.ShapeDtypeStruct((npad, d), jnp.float32),
                   jax.ShapeDtypeStruct((npad, _NORMW), jnp.float32)],
    )(degp, featp, lam)

    s1 = agg_k(srcp, dstp, h1, zeros_row)

    g1, h2 = pl.pallas_call(
        _tc2_body,
        grid=(grid,),
        in_specs=[_row_spec(_NORMW), _part_spec(d), _row_spec(d),
                  _full_spec((8, 128))],
        out_specs=[_row_spec(d), _row_spec(d)],
        out_shape=[jax.ShapeDtypeStruct((npad, d), jnp.float32),
                   jax.ShapeDtypeStruct((npad, d), jnp.float32)],
    )(norm16, s1, featp, lam)

    s2 = agg_k(srcp, dstp, h2, zeros_row)

    wa = W0 - W1 + W2
    wb = W1 - 2.0 * W2
    wc = 2.0 * W2
    bias2 = jnp.broadcast_to(bias[None, :], (8, d))

    out = pl.pallas_call(
        _tc3_body,
        grid=(grid,),
        in_specs=[_row_spec(_NORMW), _row_spec(d), _row_spec(d), _part_spec(d),
                  _full_spec((d, d)), _full_spec((d, d)), _full_spec((d, d)),
                  _full_spec((8, d))],
        out_specs=_row_spec(d),
        out_shape=jax.ShapeDtypeStruct((npad, d), jnp.float32),
    )(norm16, featp, g1, s2, wa, wb, wc, bias2)

    return out[:n]

# --- scband reference (transcript-rebuilt; emitter-appended) ---
"""Pipeline reference for scband-cheb-conv-26216480375298 (READ-ONLY COPY).

The authoritative reference and input builder live on the scoring server;
editing this copy changes nothing except your own understanding.
"""

import jax, jax.numpy as jnp
import numpy as np

N = 10000
E = 320000
D_IN = 128
D_OUT = 128
K = 3


def setup_inputs(seed: int = 0) -> dict:
    key = jax.random.key(seed)
    ks = jax.random.split(key, 8)
    feat = jax.random.normal(ks[0], (N, D_IN), dtype=jnp.float32)
    edge_index = jax.random.randint(ks[1], (2, E), 0, N, dtype=jnp.int32)
    scale = 1.0 / np.sqrt(D_IN)
    W0 = jax.random.normal(ks[2], (D_IN, D_OUT), dtype=jnp.float32) * scale
    W1 = jax.random.normal(ks[3], (D_IN, D_OUT), dtype=jnp.float32) * scale
    W2 = jax.random.normal(ks[4], (D_IN, D_OUT), dtype=jnp.float32) * scale
    bias = jax.random.normal(ks[5], (D_OUT,), dtype=jnp.float32) * 0.01
    return {"feat": feat, "edge_index": edge_index, "lambda_max": 2, "W0": W0, "W1": W1, "W2": W2, "bias": bias}


def reference(feat, edge_index, lambda_max, W0, W1, W2, bias):
    src = edge_index[0]
    dst = edge_index[1]
    # in_degrees: number of edges whose destination is each node
    deg = jnp.zeros((N,), dtype=feat.dtype).at[dst].add(1.0)
    norm = jnp.where(deg > 0, jnp.power(deg, -0.5), 0.0)[:, None]
    laplacian_norm = 2.0 / jnp.asarray(lambda_max, dtype=feat.dtype)

    def agg(h):
        # update_all(copy_u('h','m'), sum('m','h')): sum messages from src at dst
        return jnp.zeros_like(h).at[dst].add(h[src])

    Ws = [W0, W1, W2]
    Tx_0 = feat
    rst = Tx_0 @ Ws[0]
    Tx_1 = agg(Tx_0 * norm) * norm * laplacian_norm - Tx_0
    rst = rst + Tx_1 @ Ws[1]
    for i in range(2, K):
        Tx_2 = 2.0 * (agg(Tx_1 * norm) * norm * laplacian_norm - Tx_1) - Tx_0
        rst = rst + Tx_2 @ Ws[i]
        Tx_1, Tx_0 = Tx_2, Tx_1
    rst = rst + bias
    return rst

if __name__ == "__main__":
    import jax
    _d = setup_inputs()
    print(jax.jit(kernel)(*tuple(_d.values())))

</pallas_src>

<mosaic_0001>
#map = affine_map<(d0, d1) -> (0, 0, 0)>
#map1 = affine_map<(d0, d1) -> (0, 0)>
module attributes {stable_mosaic.version = 14 : i64} {
  func.func @deg_kernel(%arg0: i32, %arg1: i32, %arg2: memref<32x80x128xi32, #tpu.memory_space<hbm>>, %arg3: memref<128x128xf32, #tpu.memory_space<hbm>>, %arg4: memref<10240x128xf32, #tpu.memory_space<hbm>>, %arg5: memref<2x10240x128xf32, #tpu.memory_space<hbm>>, %arg6: memref<80x128xi32, #tpu.memory_space<vmem>>, %arg7: memref<128x128xf32, #tpu.memory_space<vmem>>, %arg8: memref<10240x128xf32, #tpu.memory_space<vmem_shared>>, %arg9: memref<!tpu.dma_semaphore, #tpu.memory_space<semaphore_mem>>) attributes {dimension_semantics = [#tpu.dimension_semantics<core_parallel>, #tpu.dimension_semantics<subcore_parallel>], iteration_bounds = array<i64: 2, 16>, scalar_prefetch = 0 : i64, scratch_operands = 4 : i64, tpu.core_type = #tpu.core_type<sc_vector_subcore>, window_params = [{transform_indices = #map}, {transform_indices = #map1}, {transform_indices = #map1}, {transform_indices = #map}]} {
    %mul3A = arith.constant 16 : i32
    %mul3A_0 = arith.muli %arg0, %mul3A : i32
    %add3A = arith.addi %mul3A_0, %arg1 : i32
    %mul3A_1 = arith.constant 640 : i32
    %mul3A_2 = arith.muli %arg1, %mul3A_1 : i32
    "tpu.region"() ({
      %run_scoped3A = tpu.sem_alloc : memref<!tpu.dma_semaphore, #tpu.memory_space<semaphore_mem>>
      %dma_start3A = arith.constant 0 : i32
      %dma_start3A_15 = tpu.memref_slice %arg8[%mul3A_2, %dma_start3A] : memref<10240x128xf32, #tpu.memory_space<vmem_shared>> -> memref<640x128xf32, #tpu.memory_space<vmem_shared>>
      %dma_start3A_16 = arith.constant 0 : i32
      %dma_start3A_17 = tpu.memref_slice %arg4[%mul3A_2, %dma_start3A_16] : memref<10240x128xf32, #tpu.memory_space<hbm>> -> memref<640x128xf32, #tpu.memory_space<hbm>>
      tpu.enqueue_dma source(%dma_start3A_17 : memref<640x128xf32, #tpu.memory_space<hbm>>) target(%dma_start3A_15 : memref<640x128xf32, #tpu.memory_space<vmem_shared>>) target_semaphore(%run_scoped3A : memref<!tpu.dma_semaphore, #tpu.memory_space<semaphore_mem>>)
      %dma_wait3A = arith.constant 0 : i32
      %dma_wait3A_18 = tpu.memref_slice %arg8[%mul3A_2, %dma_wait3A] : memref<10240x128xf32, #tpu.memory_space<vmem_shared>> -> memref<640x128xf32, #tpu.memory_space<vmem_shared>>
      %dma_wait3A_19 = arith.constant 0 : i32
      %dma_wait3A_20 = tpu.memref_slice %arg4[%mul3A_2, %dma_wait3A_19] : memref<10240x128xf32, #tpu.memory_space<hbm>> -> memref<640x128xf32, #tpu.memory_space<hbm>>
      tpu.wait_dma2 semaphore(%run_scoped3A : memref<!tpu.dma_semaphore, #tpu.memory_space<semaphore_mem>>) src(%dma_wait3A_20 : memref<640x128xf32, #tpu.memory_space<hbm>>) dst(%dma_wait3A_18 : memref<640x128xf32, #tpu.memory_space<vmem_shared>>)
      tpu.yield
    }) : () -> ()
    "tpu.region"() ({
      %run_scoped3A = tpu.sem_alloc : memref<!tpu.dma_semaphore, #tpu.memory_space<semaphore_mem>>
      tpu.enqueue_dma source(%arg3 : memref<128x128xf32, #tpu.memory_space<hbm>>) target(%arg7 : memref<128x128xf32, #tpu.memory_space<vmem>>) target_semaphore(%run_scoped3A : memref<!tpu.dma_semaphore, #tpu.memory_space<semaphore_mem>>)
      tpu.wait_dma2 semaphore(%run_scoped3A : memref<!tpu.dma_semaphore, #tpu.memory_space<semaphore_mem>>) src(%arg3 : memref<128x128xf32, #tpu.memory_space<hbm>>) dst(%arg7 : memref<128x128xf32, #tpu.memory_space<vmem>>)
      tpu.yield
    }) : () -> ()
    "tpu.region"() ({
      %run_scoped3A = tpu.sem_alloc : memref<!tpu.dma_semaphore, #tpu.memory_space<semaphore_mem>>
      %dma_start3A = arith.constant 0 : i32
      %dma_start3A_15 = arith.constant 0 : i32
      %dma_start3A_16 = tpu.memref_slice %arg2[%add3A, %dma_start3A, %dma_start3A_15] : memref<32x80x128xi32, #tpu.memory_space<hbm>> -> memref<1x80x128xi32, #tpu.memory_space<hbm>>
      %dma_start3A_17 = tpu.memref_squeeze %dma_start3A_16 : memref<1x80x128xi32, #tpu.memory_space<hbm>> -> memref<80x128xi32, #tpu.memory_space<hbm>>
      %dma_start3A_18 = arith.constant 0 : i32
      %dma_start3A_19 = arith.constant 0 : i32
      %dma_start3A_20 = tpu.memref_slice %arg2[%add3A, %dma_start3A_18, %dma_start3A_19] : memref<32x80x128xi32, #tpu.memory_space<hbm>> -> memref<1x80x128xi32, #tpu.memory_space<hbm>>
      %dma_start3A_21 = tpu.memref_squeeze %dma_start3A_20 : memref<1x80x128xi32, #tpu.memory_space<hbm>> -> memref<80x128xi32, #tpu.memory_space<hbm>>
      tpu.enqueue_dma source(%dma_start3A_21 : memref<80x128xi32, #tpu.memory_space<hbm>>) target(%arg6 : memref<80x128xi32, #tpu.memory_space<vmem>>) target_semaphore(%run_scoped3A : memref<!tpu.dma_semaphore, #tpu.memory_space<semaphore_mem>>)
      %dma_wait3A = arith.constant 0 : i32
      %dma_wait3A_22 = arith.constant 0 : i32
      %dma_wait3A_23 = tpu.memref_slice %arg2[%add3A, %dma_wait3A, %dma_wait3A_22] : memref<32x80x128xi32, #tpu.memory_space<hbm>> -> memref<1x80x128xi32, #tpu.memory_space<hbm>>
      %dma_wait3A_24 = tpu.memref_squeeze %dma_wait3A_23 : memref<1x80x128xi32, #tpu.memory_space<hbm>> -> memref<80x128xi32, #tpu.memory_space<hbm>>
      %dma_wait3A_25 = arith.constant 0 : i32
      %dma_wait3A_26 = arith.constant 0 : i32
      %dma_wait3A_27 = tpu.memref_slice %arg2[%add3A, %dma_wait3A_25, %dma_wait3A_26] : memref<32x80x128xi32, #tpu.memory_space<hbm>> -> memref<1x80x128xi32, #tpu.memory_space<hbm>>
      %dma_wait3A_28 = tpu.memref_squeeze %dma_wait3A_27 : memref<1x80x128xi32, #tpu.memory_space<hbm>> -> memref<80x128xi32, #tpu.memory_space<hbm>>
      tpu.wait_dma2 semaphore(%run_scoped3A : memref<!tpu.dma_semaphore, #tpu.memory_space<semaphore_mem>>) src(%dma_wait3A_28 : memref<80x128xi32, #tpu.memory_space<hbm>>) dst(%arg6 : memref<80x128xi32, #tpu.memory_space<vmem>>)
      tpu.yield
    }) : () -> ()
    %barrier3A = arith.constant 0 : index
    tpu.barrier barrier_id(%barrier3A)
    %scan3A = arith.constant 0 : i32
    %scan3A_3 = arith.constant 0 : i32
    %scan3A_4 = arith.constant 80 : i32
    %scan3A_5 = arith.addi %scan3A_3, %scan3A_4 : i32
    %scan3A_6 = arith.constant 1 : i32
    scf.for %scan3A_15 = %scan3A_3 to %scan3A_5 step %scan3A_6  : i32 {
      %dma_start3A = arith.constant 0 : i32
      %dma_start3A_16 = tpu.memref_slice %arg6[%scan3A_15, %dma_start3A] : memref<80x128xi32, #tpu.memory_space<vmem>> -> memref<1x128xi32, #tpu.memory_space<vmem>>
      %dma_start3A_17 = tpu.memref_squeeze %dma_start3A_16 : memref<1x128xi32, #tpu.memory_space<vmem>> -> memref<128xi32, #tpu.memory_space<vmem>>
      %dma_start3A_18 = arith.constant 0 : i32
      %dma_start3A_19 = arith.constant 0 : i32
      %dma_start3A_20 = tpu.memref_slice %arg8[%dma_start3A_18, %dma_start3A_19] : memref<10240x128xf32, #tpu.memory_space<vmem_shared>> -> memref<10240x128xf32, #tpu.memory_space<vmem_shared>>
      tpu.enqueue_indirect_dma source(%arg7 : memref<128x128xf32, #tpu.memory_space<vmem>>) target(%dma_start3A_20 : memref<10240x128xf32, #tpu.memory_space<vmem_shared>>) offsets(%dma_start3A_17 : memref<128xi32, #tpu.memory_space<vmem>>) semaphore(%arg9 : memref<!tpu.dma_semaphore, #tpu.memory_space<semaphore_mem>>) {add = true}
      %ge3A = arith.constant 4 : i32
      %ge3A_21 = arith.cmpi sge, %scan3A_15, %ge3A : i32
      %convert_element_type3A = arith.extui %ge3A_21 : i1 to i32
      %cond3A = arith.constant 0 : i32
      %cond3A_22 = arith.cmpi ne, %convert_element_type3A, %cond3A : i32
      scf.if %cond3A_22 {
        %dma_wait3A = arith.constant 0 : i32
        %dma_wait3A_23 = arith.constant 0 : i32
        %dma_wait3A_24 = tpu.memref_slice %arg6[%dma_wait3A, %dma_wait3A_23] : memref<80x128xi32, #tpu.memory_space<vmem>> -> memref<1x128xi32, #tpu.memory_space<vmem>>
        %dma_wait3A_25 = tpu.memref_squeeze %dma_wait3A_24 : memref<1x128xi32, #tpu.memory_space<vmem>> -> memref<128xi32, #tpu.memory_space<vmem>>
        %dma_wait3A_26 = arith.constant 0 : i32
        %dma_wait3A_27 = arith.constant 0 : i32
        %dma_wait3A_28 = tpu.memref_slice %arg8[%dma_wait3A_26, %dma_wait3A_27] : memref<10240x128xf32, #tpu.memory_space<vmem_shared>> -> memref<10240x128xf32, #tpu.memory_space<vmem_shared>>
        tpu.wait_indirect_dma semaphore(%arg9 : memref<!tpu.dma_semaphore, #tpu.memory_space<semaphore_mem>>) src(%arg7 : memref<128x128xf32, #tpu.memory_space<vmem>>) dst(%dma_wait3A_28 : memref<10240x128xf32, #tpu.memory_space<vmem_shared>>)
      } else {
      }
    }
    %scan3A_7 = arith.constant 80 : i32
    %scan3A_8 = arith.constant 0 : i32
    %scan3A_9 = arith.constant 0 : i32
    %scan3A_10 = arith.constant 4 : i32
    %scan3A_11 = arith.addi %scan3A_9, %scan3A_10 : i32
    %scan3A_12 = arith.constant 1 : i32
    scf.for %scan3A_15 = %scan3A_9 to %scan3A_11 step %scan3A_12  : i32 {
      %dma_wait3A = arith.constant 0 : i32
      %dma_wait3A_16 = arith.constant 0 : i32
      %dma_wait3A_17 = tpu.memref_slice %arg6[%dma_wait3A, %dma_wait3A_16] : memref<80x128xi32, #tpu.memory_space<vmem>> -> memref<1x128xi32, #tpu.memory_space<vmem>>
      %dma_wait3A_18 = tpu.memref_squeeze %dma_wait3A_17 : memref<1x128xi32, #tpu.memory_space<vmem>> -> memref<128xi32, #tpu.memory_space<vmem>>
      %dma_wait3A_19 = arith.constant 0 : i32
      %dma_wait3A_20 = arith.constant 0 : i32
      %dma_wait3A_21 = tpu.memref_slice %arg8[%dma_wait3A_19, %dma_wait3A_20] : memref<10240x128xf32, #tpu.memory_space<vmem_shared>> -> memref<10240x128xf32, #tpu.memory_space<vmem_shared>>
      tpu.wait_indirect_dma semaphore(%arg9 : memref<!tpu.dma_semaphore, #tpu.memory_space<semaphore_mem>>) src(%arg7 : memref<128x128xf32, #tpu.memory_space<vmem>>) dst(%dma_wait3A_21 : memref<10240x128xf32, #tpu.memory_space<vmem_shared>>)
    }
    %scan3A_13 = arith.constant 4 : i32
    %barrier3A_14 = arith.constant 0 : index
    tpu.barrier barrier_id(%barrier3A_14)
    "tpu.region"() ({
      %run_scoped3A = tpu.sem_alloc : memref<!tpu.dma_semaphore, #tpu.memory_space<semaphore_mem>>
      %dma_start3A = arith.constant 0 : i32
      %dma_start3A_15 = tpu.memref_slice %arg5[%arg0, %mul3A_2, %dma_start3A] : memref<2x10240x128xf32, #tpu.memory_space<hbm>> -> memref<1x640x128xf32, #tpu.memory_space<hbm>>
      %dma_start3A_16 = tpu.memref_squeeze %dma_start3A_15 : memref<1x640x128xf32, #tpu.memory_space<hbm>> -> memref<640x128xf32, #tpu.memory_space<hbm>>
      %dma_start3A_17 = arith.constant 0 : i32
      %dma_start3A_18 = tpu.memref_slice %arg8[%mul3A_2, %dma_start3A_17] : memref<10240x128xf32, #tpu.memory_space<vmem_shared>> -> memref<640x128xf32, #tpu.memory_space<vmem_shared>>
      tpu.enqueue_dma source(%dma_start3A_18 : memref<640x128xf32, #tpu.memory_space<vmem_shared>>) target(%dma_start3A_16 : memref<640x128xf32, #tpu.memory_space<hbm>>) target_semaphore(%run_scoped3A : memref<!tpu.dma_semaphore, #tpu.memory_space<semaphore_mem>>)
      %dma_wait3A = arith.constant 0 : i32
      %dma_wait3A_19 = tpu.memref_slice %arg5[%arg0, %mul3A_2, %dma_wait3A] : memref<2x10240x128xf32, #tpu.memory_space<hbm>> -> memref<1x640x128xf32, #tpu.memory_space<hbm>>
      %dma_wait3A_20 = tpu.memref_squeeze %dma_wait3A_19 : memref<1x640x128xf32, #tpu.memory_space<hbm>> -> memref<640x128xf32, #tpu.memory_space<hbm>>
      %dma_wait3A_21 = arith.constant 0 : i32
      %dma_wait3A_22 = tpu.memref_slice %arg8[%mul3A_2, %dma_wait3A_21] : memref<10240x128xf32, #tpu.memory_space<vmem_shared>> -> memref<640x128xf32, #tpu.memory_space<vmem_shared>>
      tpu.wait_dma2 semaphore(%run_scoped3A : memref<!tpu.dma_semaphore, #tpu.memory_space<semaphore_mem>>) src(%dma_wait3A_22 : memref<640x128xf32, #tpu.memory_space<vmem_shared>>) dst(%dma_wait3A_20 : memref<640x128xf32, #tpu.memory_space<hbm>>)
      tpu.yield
    }) : () -> ()
    return
  }
}

#map = affine_map<(d0, d1) -> (0, 0, 0)>
#map1 = affine_map<(d0, d1) -> (0, 0)>
module attributes {stable_mosaic.version = 14 : i64} {
  func.func @agg_kernel(%arg0: i32, %arg1: i32, %arg2: memref<32x80x128xi32, #tpu.memory_space<hbm>>, %arg3: memref<32x80x128xi32, #tpu.memory_space<hbm>>, %arg4: memref<10240x128xf32, #tpu.memory_space<hbm>>, %arg5: memref<10240x128xf32, #tpu.memory_space<hbm>>, %arg6: memref<2x10240x128xf32, #tpu.memory_space<hbm>>, %arg7: memref<40x128xi32, #tpu.memory_space<vmem>>, %arg8: memref<40x128xi32, #tpu.memory_space<vmem>>, %arg9: memref<128x128xf32, #tpu.memory_space<vmem>>, %arg10: memref<128x128xf32, #tpu.memory_space<vmem>>, %arg11: memref<10240x128xf32, #tpu.memory_space<vmem_shared>>, %arg12: memref<!tpu.dma_semaphore, #tpu.memory_space<semaphore_mem>>, %arg13: memref<!tpu.dma_semaphore, #tpu.memory_space<semaphore_mem>>) attributes {dimension_semantics = [#tpu.dimension_semantics<core_parallel>, #tpu.dimension_semantics<subcore_parallel>], iteration_bounds = array<i64: 2, 16>, scalar_prefetch = 0 : i64, scratch_operands = 7 : i64, tpu.core_type = #tpu.core_type<sc_vector_subcore>, window_params = [{transform_indices = #map}, {transform_indices = #map}, {transform_indices = #map1}, {transform_indices = #map1}, {transform_indices = #map}]} {
    %mul3A = arith.constant 16 : i32
    %mul3A_0 = arith.muli %arg0, %mul3A : i32
    %add3A = arith.addi %mul3A_0, %arg1 : i32
    %mul3A_1 = arith.constant 640 : i32
    %mul3A_2 = arith.muli %arg1, %mul3A_1 : i32
    "tpu.region"() ({
      %run_scoped3A = tpu.sem_alloc : memref<!tpu.dma_semaphore, #tpu.memory_space<semaphore_mem>>
      %dma_start3A_42 = arith.constant 0 : i32
      %dma_start3A_43 = tpu.memref_slice %arg11[%mul3A_2, %dma_start3A_42] : memref<10240x128xf32, #tpu.memory_space<vmem_shared>> -> memref<640x128xf32, #tpu.memory_space<vmem_shared>>
      %dma_start3A_44 = arith.constant 0 : i32
      %dma_start3A_45 = tpu.memref_slice %arg5[%mul3A_2, %dma_start3A_44] : memref<10240x128xf32, #tpu.memory_space<hbm>> -> memref<640x128xf32, #tpu.memory_space<hbm>>
      tpu.enqueue_dma source(%dma_start3A_45 : memref<640x128xf32, #tpu.memory_space<hbm>>) target(%dma_start3A_43 : memref<640x128xf32, #tpu.memory_space<vmem_shared>>) target_semaphore(%run_scoped3A : memref<!tpu.dma_semaphore, #tpu.memory_space<semaphore_mem>>)
      %dma_wait3A = arith.constant 0 : i32
      %dma_wait3A_46 = tpu.memref_slice %arg11[%mul3A_2, %dma_wait3A] : memref<10240x128xf32, #tpu.memory_space<vmem_shared>> -> memref<640x128xf32, #tpu.memory_space<vmem_shared>>
      %dma_wait3A_47 = arith.constant 0 : i32
      %dma_wait3A_48 = tpu.memref_slice %arg5[%mul3A_2, %dma_wait3A_47] : memref<10240x128xf32, #tpu.memory_space<hbm>> -> memref<640x128xf32, #tpu.memory_space<hbm>>
      tpu.wait_dma2 semaphore(%run_scoped3A : memref<!tpu.dma_semaphore, #tpu.memory_space<semaphore_mem>>) src(%dma_wait3A_48 : memref<640x128xf32, #tpu.memory_space<hbm>>) dst(%dma_wait3A_46 : memref<640x128xf32, #tpu.memory_space<vmem_shared>>)
      tpu.yield
    }) : () -> ()
    %barrier3A = arith.constant 0 : index
    tpu.barrier barrier_id(%barrier3A)
    "tpu.region"() ({
      %run_scoped3A = tpu.sem_alloc : memref<!tpu.dma_semaphore, #tpu.memory_space<semaphore_mem>>
      %dma_start3A_42 = arith.constant 0 : i32
      %dma_start3A_43 = arith.constant 0 : i32
      %dma_start3A_44 = tpu.memref_slice %arg2[%add3A, %dma_start3A_42, %dma_start3A_43] : memref<32x80x128xi32, #tpu.memory_space<hbm>> -> memref<1x40x128xi32, #tpu.memory_space<hbm>>
      %dma_start3A_45 = tpu.memref_squeeze %dma_start3A_44 : memref<1x40x128xi32, #tpu.memory_space<hbm>> -> memref<40x128xi32, #tpu.memory_space<hbm>>
      %dma_start3A_46 = arith.constant 0 : i32
      %dma_start3A_47 = arith.constant 0 : i32
      %dma_start3A_48 = tpu.memref_slice %arg2[%add3A, %dma_start3A_46, %dma_start3A_47] : memref<32x80x128xi32, #tpu.memory_space<hbm>> -> memref<1x40x128xi32, #tpu.memory_space<hbm>>
      %dma_start3A_49 = tpu.memref_squeeze %dma_start3A_48 : memref<1x40x128xi32, #tpu.memory_space<hbm>> -> memref<40x128xi32, #tpu.memory_space<hbm>>
      tpu.enqueue_dma source(%dma_start3A_49 : memref<40x128xi32, #tpu.memory_space<hbm>>) target(%arg7 : memref<40x128xi32, #tpu.memory_space<vmem>>) target_semaphore(%run_scoped3A : memref<!tpu.dma_semaphore, #tpu.memory_space<semaphore_mem>>)
      %dma_wait3A = arith.constant 0 : i32
      %dma_wait3A_50 = arith.constant 0 : i32
      %dma_wait3A_51 = tpu.memref_slice %arg2[%add3A, %dma_wait3A, %dma_wait3A_50] : memref<32x80x128xi32, #tpu.memory_space<hbm>> -> memref<1x40x128xi32, #tpu.memory_space<hbm>>
      %dma_wait3A_52 = tpu.memref_squeeze %dma_wait3A_51 : memref<1x40x128xi32, #tpu.memory_space<hbm>> -> memref<40x128xi32, #tpu.memory_space<hbm>>
      %dma_wait3A_53 = arith.constant 0 : i32
      %dma_wait3A_54 = arith.constant 0 : i32
      %dma_wait3A_55 = tpu.memref_slice %arg2[%add3A, %dma_wait3A_53, %dma_wait3A_54] : memref<32x80x128xi32, #tpu.memory_space<hbm>> -> memref<1x40x128xi32, #tpu.memory_space<hbm>>
      %dma_wait3A_56 = tpu.memref_squeeze %dma_wait3A_55 : memref<1x40x128xi32, #tpu.memory_space<hbm>> -> memref<40x128xi32, #tpu.memory_space<hbm>>
      tpu.wait_dma2 semaphore(%run_scoped3A : memref<!tpu.dma_semaphore, #tpu.memory_space<semaphore_mem>>) src(%dma_wait3A_56 : memref<40x128xi32, #tpu.memory_space<hbm>>) dst(%arg7 : memref<40x128xi32, #tpu.memory_space<vmem>>)
      tpu.yield
    }) : () -> ()
    "tpu.region"() ({
      %run_scoped3A = tpu.sem_alloc : memref<!tpu.dma_semaphore, #tpu.memory_space<semaphore_mem>>
      %dma_start3A_42 = arith.constant 0 : i32
      %dma_start3A_43 = arith.constant 0 : i32
      %dma_start3A_44 = tpu.memref_slice %arg3[%add3A, %dma_start3A_42, %dma_start3A_43] : memref<32x80x128xi32, #tpu.memory_space<hbm>> -> memref<1x40x128xi32, #tpu.memory_space<hbm>>
      %dma_start3A_45 = tpu.memref_squeeze %dma_start3A_44 : memref<1x40x128xi32, #tpu.memory_space<hbm>> -> memref<40x128xi32, #tpu.memory_space<hbm>>
      %dma_start3A_46 = arith.constant 0 : i32
      %dma_start3A_47 = arith.constant 0 : i32
      %dma_start3A_48 = tpu.memref_slice %arg3[%add3A, %dma_start3A_46, %dma_start3A_47] : memref<32x80x128xi32, #tpu.memory_space<hbm>> -> memref<1x40x128xi32, #tpu.memory_space<hbm>>
      %dma_start3A_49 = tpu.memref_squeeze %dma_start3A_48 : memref<1x40x128xi32, #tpu.memory_space<hbm>> -> memref<40x128xi32, #tpu.memory_space<hbm>>
      tpu.enqueue_dma source(%dma_start3A_49 : memref<40x128xi32, #tpu.memory_space<hbm>>) target(%arg8 : memref<40x128xi32, #tpu.memory_space<vmem>>) target_semaphore(%run_scoped3A : memref<!tpu.dma_semaphore, #tpu.memory_space<semaphore_mem>>)
      %dma_wait3A = arith.constant 0 : i32
      %dma_wait3A_50 = arith.constant 0 : i32
      %dma_wait3A_51 = tpu.memref_slice %arg3[%add3A, %dma_wait3A, %dma_wait3A_50] : memref<32x80x128xi32, #tpu.memory_space<hbm>> -> memref<1x40x128xi32, #tpu.memory_space<hbm>>
      %dma_wait3A_52 = tpu.memref_squeeze %dma_wait3A_51 : memref<1x40x128xi32, #tpu.memory_space<hbm>> -> memref<40x128xi32, #tpu.memory_space<hbm>>
      %dma_wait3A_53 = arith.constant 0 : i32
      %dma_wait3A_54 = arith.constant 0 : i32
      %dma_wait3A_55 = tpu.memref_slice %arg3[%add3A, %dma_wait3A_53, %dma_wait3A_54] : memref<32x80x128xi32, #tpu.memory_space<hbm>> -> memref<1x40x128xi32, #tpu.memory_space<hbm>>
      %dma_wait3A_56 = tpu.memref_squeeze %dma_wait3A_55 : memref<1x40x128xi32, #tpu.memory_space<hbm>> -> memref<40x128xi32, #tpu.memory_space<hbm>>
      tpu.wait_dma2 semaphore(%run_scoped3A : memref<!tpu.dma_semaphore, #tpu.memory_space<semaphore_mem>>) src(%dma_wait3A_56 : memref<40x128xi32, #tpu.memory_space<hbm>>) dst(%arg8 : memref<40x128xi32, #tpu.memory_space<vmem>>)
      tpu.yield
    }) : () -> ()
    %dma_start3A = arith.constant 0 : i32
    %dma_start3A_3 = arith.constant 0 : i32
    %dma_start3A_4 = tpu.memref_slice %arg7[%dma_start3A, %dma_start3A_3] : memref<40x128xi32, #tpu.memory_space<vmem>> -> memref<1x128xi32, #tpu.memory_space<vmem>>
    %dma_start3A_5 = tpu.memref_squeeze %dma_start3A_4 : memref<1x128xi32, #tpu.memory_space<vmem>> -> memref<128xi32, #tpu.memory_space<vmem>>
    %dma_start3A_6 = arith.constant 0 : i32
    %dma_start3A_7 = arith.constant 0 : i32
    %dma_start3A_8 = tpu.memref_slice %arg4[%dma_start3A_6, %dma_start3A_7] : memref<10240x128xf32, #tpu.memory_space<hbm>> -> memref<10240x128xf32, #tpu.memory_space<hbm>>
    tpu.enqueue_indirect_dma source(%dma_start3A_8 : memref<10240x128xf32, #tpu.memory_space<hbm>>) target(%arg9 : memref<128x128xf32, #tpu.memory_space<vmem>>) offsets(%dma_start3A_5 : memref<128xi32, #tpu.memory_space<vmem>>) semaphore(%arg12 : memref<!tpu.dma_semaphore, #tpu.memory_space<semaphore_mem>>)
    %dma_start3A_9 = arith.constant 1 : i32
    %dma_start3A_10 = arith.constant 0 : i32
    %dma_start3A_11 = tpu.memref_slice %arg7[%dma_start3A_9, %dma_start3A_10] : memref<40x128xi32, #tpu.memory_space<vmem>> -> memref<1x128xi32, #tpu.memory_space<vmem>>
    %dma_start3A_12 = tpu.memref_squeeze %dma_start3A_11 : memref<1x128xi32, #tpu.memory_space<vmem>> -> memref<128xi32, #tpu.memory_space<vmem>>
    %dma_start3A_13 = arith.constant 0 : i32
    %dma_start3A_14 = arith.constant 0 : i32
    %dma_start3A_15 = tpu.memref_slice %arg4[%dma_start3A_13, %dma_start3A_14] : memref<10240x128xf32, #tpu.memory_space<hbm>> -> memref<10240x128xf32, #tpu.memory_space<hbm>>
    tpu.enqueue_indirect_dma source(%dma_start3A_15 : memref<10240x128xf32, #tpu.memory_space<hbm>>) target(%arg10 : memref<128x128xf32, #tpu.memory_space<vmem>>) offsets(%dma_start3A_12 : memref<128xi32, #tpu.memory_space<vmem>>) semaphore(%arg13 : memref<!tpu.dma_semaphore, #tpu.memory_space<semaphore_mem>>)
    %scan3A = arith.constant 0 : i32
    %scan3A_16 = arith.constant 0 : i32
    %scan3A_17 = arith.constant 20 : i32
    %scan3A_18 = arith.addi %scan3A_16, %scan3A_17 : i32
    %scan3A_19 = arith.constant 1 : i32
    scf.for %scan3A_42 = %scan3A_16 to %scan3A_18 step %scan3A_19  : i32 {
      %mul3A_43 = arith.constant 2 : i32
      %mul3A_44 = arith.muli %mul3A_43, %scan3A_42 : i32
      %add3A_45 = arith.constant 0 : i32
      %add3A_46 = arith.addi %mul3A_44, %add3A_45 : i32
      %dma_wait3A = arith.constant 0 : i32
      %dma_wait3A_47 = tpu.memref_slice %arg7[%add3A_46, %dma_wait3A] : memref<40x128xi32, #tpu.memory_space<vmem>> -> memref<1x128xi32, #tpu.memory_space<vmem>>
      %dma_wait3A_48 = tpu.memref_squeeze %dma_wait3A_47 : memref<1x128xi32, #tpu.memory_space<vmem>> -> memref<128xi32, #tpu.memory_space<vmem>>
      %dma_wait3A_49 = arith.constant 0 : i32
      %dma_wait3A_50 = arith.constant 0 : i32
      %dma_wait3A_51 = tpu.memref_slice %arg4[%dma_wait3A_49, %dma_wait3A_50] : memref<10240x128xf32, #tpu.memory_space<hbm>> -> memref<10240x128xf32, #tpu.memory_space<hbm>>
      tpu.wait_indirect_dma semaphore(%arg12 : memref<!tpu.dma_semaphore, #tpu.memory_space<semaphore_mem>>) src(%dma_wait3A_51 : memref<10240x128xf32, #tpu.memory_space<hbm>>) dst(%arg9 : memref<128x128xf32, #tpu.memory_space<vmem>>)
      "tpu.region"() ({
        %run_scoped3A = tpu.sem_alloc : memref<!tpu.dma_semaphore, #tpu.memory_space<semaphore_mem>>
        %dma_start3A_73 = arith.constant 0 : i32
        %dma_start3A_74 = tpu.memref_slice %arg8[%add3A_46, %dma_start3A_73] : memref<40x128xi32, #tpu.memory_space<vmem>> -> memref<1x128xi32, #tpu.memory_space<vmem>>
        %dma_start3A_75 = tpu.memref_squeeze %dma_start3A_74 : memref<1x128xi32, #tpu.memory_space<vmem>> -> memref<128xi32, #tpu.memory_space<vmem>>
        %dma_start3A_76 = arith.constant 0 : i32
        %dma_start3A_77 = arith.constant 0 : i32
        %dma_start3A_78 = tpu.memref_slice %arg11[%dma_start3A_76, %dma_start3A_77] : memref<10240x128xf32, #tpu.memory_space<vmem_shared>> -> memref<10240x128xf32, #tpu.memory_space<vmem_shared>>
        tpu.enqueue_indirect_dma source(%arg9 : memref<128x128xf32, #tpu.memory_space<vmem>>) target(%dma_start3A_78 : memref<10240x128xf32, #tpu.memory_space<vmem_shared>>) offsets(%dma_start3A_75 : memref<128xi32, #tpu.memory_space<vmem>>) semaphore(%run_scoped3A : memref<!tpu.dma_semaphore, #tpu.memory_space<semaphore_mem>>) {add = true}
        %dma_wait3A_79 = arith.constant 0 : i32
        %dma_wait3A_80 = tpu.memref_slice %arg8[%add3A_46, %dma_wait3A_79] : memref<40x128xi32, #tpu.memory_space<vmem>> -> memref<1x128xi32, #tpu.memory_space<vmem>>
        %dma_wait3A_81 = tpu.memref_squeeze %dma_wait3A_80 : memref<1x128xi32, #tpu.memory_space<vmem>> -> memref<128xi32, #tpu.memory_space<vmem>>
        %dma_wait3A_82 = arith.constant 0 : i32
        %dma_wait3A_83 = arith.constant 0 : i32
        %dma_wait3A_84 = tpu.memref_slice %arg11[%dma_wait3A_82, %dma_wait3A_83] : memref<10240x128xf32, #tpu.memory_space<vmem_shared>> -> memref<10240x128xf32, #tpu.memory_space<vmem_shared>>
        tpu.wait_indirect_dma semaphore(%run_scoped3A : memref<!tpu.dma_semaphore, #tpu.memory_space<semaphore_mem>>) src(%arg9 : memref<128x128xf32, #tpu.memory_space<vmem>>) dst(%dma_wait3A_84 : memref<10240x128xf32, #tpu.memory_space<vmem_shared>>)
        tpu.yield
      }) : () -> ()
      %add3A_52 = arith.constant 2 : i32
      %add3A_53 = arith.addi %add3A_46, %add3A_52 : i32
      %lt3A = arith.constant 40 : i32
      %lt3A_54 = arith.cmpi slt, %add3A_53, %lt3A : i32
      %convert_element_type3A = arith.extui %lt3A_54 : i1 to i32
      %cond3A = arith.constant 0 : i32
      %cond3A_55 = arith.cmpi ne, %convert_element_type3A, %cond3A : i32
      scf.if %cond3A_55 {
        %add3A_73 = arith.constant 2 : i32
        %add3A_74 = arith.addi %add3A_46, %add3A_73 : i32
        %dma_start3A_75 = arith.constant 0 : i32
        %dma_start3A_76 = tpu.memref_slice %arg7[%add3A_74, %dma_start3A_75] : memref<40x128xi32, #tpu.memory_space<vmem>> -> memref<1x128xi32, #tpu.memory_space<vmem>>
        %dma_start3A_77 = tpu.memref_squeeze %dma_start3A_76 : memref<1x128xi32, #tpu.memory_space<vmem>> -> memref<128xi32, #tpu.memory_space<vmem>>
        %dma_start3A_78 = arith.constant 0 : i32
        %dma_start3A_79 = arith.constant 0 : i32
        %dma_start3A_80 = tpu.memref_slice %arg4[%dma_start3A_78, %dma_start3A_79] : memref<10240x128xf32, #tpu.memory_space<hbm>> -> memref<10240x128xf32, #tpu.memory_space<hbm>>
        tpu.enqueue_indirect_dma source(%dma_start3A_80 : memref<10240x128xf32, #tpu.memory_space<hbm>>) target(%arg9 : memref<128x128xf32, #tpu.memory_space<vmem>>) offsets(%dma_start3A_77 : memref<128xi32, #tpu.memory_space<vmem>>) semaphore(%arg12 : memref<!tpu.dma_semaphore, #tpu.memory_space<semaphore_mem>>)
      } else {
      }
      %mul3A_56 = arith.constant 2 : i32
      %mul3A_57 = arith.muli %mul3A_56, %scan3A_42 : i32
      %add3A_58 = arith.constant 1 : i32
      %add3A_59 = arith.addi %mul3A_57, %add3A_58 : i32
      %dma_wait3A_60 = arith.constant 0 : i32
      %dma_wait3A_61 = tpu.memref_slice %arg7[%add3A_59, %dma_wait3A_60] : memref<40x128xi32, #tpu.memory_space<vmem>> -> memref<1x128xi32, #tpu.memory_space<vmem>>
      %dma_wait3A_62 = tpu.memref_squeeze %dma_wait3A_61 : memref<1x128xi32, #tpu.memory_space<vmem>> -> memref<128xi32, #tpu.memory_space<vmem>>
      %dma_wait3A_63 = arith.constant 0 : i32
      %dma_wait3A_64 = arith.constant 0 : i32
      %dma_wait3A_65 = tpu.memref_slice %arg4[%dma_wait3A_63, %dma_wait3A_64] : memref<10240x128xf32, #tpu.memory_space<hbm>> -> memref<10240x128xf32, #tpu.memory_space<hbm>>
      tpu.wait_indirect_dma semaphore(%arg13 : memref<!tpu.dma_semaphore, #tpu.memory_space<semaphore_mem>>) src(%dma_wait3A_65 : memref<10240x128xf32, #tpu.memory_space<hbm>>) dst(%arg10 : memref<128x128xf32, #tpu.memory_space<vmem>>)
      "tpu.region"() ({
        %run_scoped3A = tpu.sem_alloc : memref<!tpu.dma_semaphore, #tpu.memory_space<semaphore_mem>>
        %dma_start3A_73 = arith.constant 0 : i32
        %dma_start3A_74 = tpu.memref_slice %arg8[%add3A_59, %dma_start3A_73] : memref<40x128xi32, #tpu.memory_space<vmem>> -> memref<1x128xi32, #tpu.memory_space<vmem>>
        %dma_start3A_75 = tpu.memref_squeeze %dma_start3A_74 : memref<1x128xi32, #tpu.memory_space<vmem>> -> memref<128xi32, #tpu.memory_space<vmem>>
        %dma_start3A_76 = arith.constant 0 : i32
        %dma_start3A_77 = arith.constant 0 : i32
        %dma_start3A_78 = tpu.memref_slice %arg11[%dma_start3A_76, %dma_start3A_77] : memref<10240x128xf32, #tpu.memory_space<vmem_shared>> -> memref<10240x128xf32, #tpu.memory_space<vmem_shared>>
        tpu.enqueue_indirect_dma source(%arg10 : memref<128x128xf32, #tpu.memory_space<vmem>>) target(%dma_start3A_78 : memref<10240x128xf32, #tpu.memory_space<vmem_shared>>) offsets(%dma_start3A_75 : memref<128xi32, #tpu.memory_space<vmem>>) semaphore(%run_scoped3A : memref<!tpu.dma_semaphore, #tpu.memory_space<semaphore_mem>>) {add = true}
        %dma_wait3A_79 = arith.constant 0 : i32
        %dma_wait3A_80 = tpu.memref_slice %arg8[%add3A_59, %dma_wait3A_79] : memref<40x128xi32, #tpu.memory_space<vmem>> -> memref<1x128xi32, #tpu.memory_space<vmem>>
        %dma_wait3A_81 = tpu.memref_squeeze %dma_wait3A_80 : memref<1x128xi32, #tpu.memory_space<vmem>> -> memref<128xi32, #tpu.memory_space<vmem>>
        %dma_wait3A_82 = arith.constant 0 : i32
        %dma_wait3A_83 = arith.constant 0 : i32
        %dma_wait3A_84 = tpu.memref_slice %arg11[%dma_wait3A_82, %dma_wait3A_83] : memref<10240x128xf32, #tpu.memory_space<vmem_shared>> -> memref<10240x128xf32, #tpu.memory_space<vmem_shared>>
        tpu.wait_indirect_dma semaphore(%run_scoped3A : memref<!tpu.dma_semaphore, #tpu.memory_space<semaphore_mem>>) src(%arg10 : memref<128x128xf32, #tpu.memory_space<vmem>>) dst(%dma_wait3A_84 : memref<10240x128xf32, #tpu.memory_space<vmem_shared>>)
        tpu.yield
      }) : () -> ()
      %add3A_66 = arith.constant 2 : i32
      %add3A_67 = arith.addi %add3A_59, %add3A_66 : i32
      %lt3A_68 = arith.constant 40 : i32
      %lt3A_69 = arith.cmpi slt, %add3A_67, %lt3A_68 : i32
      %convert_element_type3A_70 = arith.extui %lt3A_69 : i1 to i32
      %cond3A_71 = arith.constant 0 : i32
      %cond3A_72 = arith.cmpi ne, %convert_element_type3A_70, %cond3A_71 : i32
      scf.if %cond3A_72 {
        %add3A_73 = arith.constant 2 : i32
        %add3A_74 = arith.addi %add3A_59, %add3A_73 : i32
        %dma_start3A_75 = arith.constant 0 : i32
        %dma_start3A_76 = tpu.memref_slice %arg7[%add3A_74, %dma_start3A_75] : memref<40x128xi32, #tpu.memory_space<vmem>> -> memref<1x128xi32, #tpu.memory_space<vmem>>
        %dma_start3A_77 = tpu.memref_squeeze %dma_start3A_76 : memref<1x128xi32, #tpu.memory_space<vmem>> -> memref<128xi32, #tpu.memory_space<vmem>>
        %dma_start3A_78 = arith.constant 0 : i32
        %dma_start3A_79 = arith.constant 0 : i32
        %dma_start3A_80 = tpu.memref_slice %arg4[%dma_start3A_78, %dma_start3A_79] : memref<10240x128xf32, #tpu.memory_space<hbm>> -> memref<10240x128xf32, #tpu.memory_space<hbm>>
        tpu.enqueue_indirect_dma source(%dma_start3A_80 : memref<10240x128xf32, #tpu.memory_space<hbm>>) target(%arg10 : memref<128x128xf32, #tpu.memory_space<vmem>>) offsets(%dma_start3A_77 : memref<128xi32, #tpu.memory_space<vmem>>) semaphore(%arg13 : memref<!tpu.dma_semaphore, #tpu.memory_space<semaphore_mem>>)
      } else {
      }
    }
    %scan3A_20 = arith.constant 20 : i32
    "tpu.region"() ({
      %run_scoped3A = tpu.sem_alloc : memref<!tpu.dma_semaphore, #tpu.memory_space<semaphore_mem>>
      %dma_start3A_42 = arith.constant 40 : i32
      %dma_start3A_43 = arith.constant 0 : i32
      %dma_start3A_44 = tpu.memref_slice %arg2[%add3A, %dma_start3A_42, %dma_start3A_43] : memref<32x80x128xi32, #tpu.memory_space<hbm>> -> memref<1x40x128xi32, #tpu.memory_space<hbm>>
      %dma_start3A_45 = tpu.memref_squeeze %dma_start3A_44 : memref<1x40x128xi32, #tpu.memory_space<hbm>> -> memref<40x128xi32, #tpu.memory_space<hbm>>
      %dma_start3A_46 = arith.constant 40 : i32
      %dma_start3A_47 = arith.constant 0 : i32
      %dma_start3A_48 = tpu.memref_slice %arg2[%add3A, %dma_start3A_46, %dma_start3A_47] : memref<32x80x128xi32, #tpu.memory_space<hbm>> -> memref<1x40x128xi32, #tpu.memory_space<hbm>>
      %dma_start3A_49 = tpu.memref_squeeze %dma_start3A_48 : memref<1x40x128xi32, #tpu.memory_space<hbm>> -> memref<40x128xi32, #tpu.memory_space<hbm>>
      tpu.enqueue_dma source(%dma_start3A_49 : memref<40x128xi32, #tpu.memory_space<hbm>>) target(%arg7 : memref<40x128xi32, #tpu.memory_space<vmem>>) target_semaphore(%run_scoped3A : memref<!tpu.dma_semaphore, #tpu.memory_space<semaphore_mem>>)
      %dma_wait3A = arith.constant 40 : i32
      %dma_wait3A_50 = arith.constant 0 : i32
      %dma_wait3A_51 = tpu.memref_slice %arg2[%add3A, %dma_wait3A, %dma_wait3A_50] : memref<32x80x128xi32, #tpu.memory_space<hbm>> -> memref<1x40x128xi32, #tpu.memory_space<hbm>>
      %dma_wait3A_52 = tpu.memref_squeeze %dma_wait3A_51 : memref<1x40x128xi32, #tpu.memory_space<hbm>> -> memref<40x128xi32, #tpu.memory_space<hbm>>
      %dma_wait3A_53 = arith.constant 40 : i32
      %dma_wait3A_54 = arith.constant 0 : i32
      %dma_wait3A_55 = tpu.memref_slice %arg2[%add3A, %dma_wait3A_53, %dma_wait3A_54] : memref<32x80x128xi32, #tpu.memory_space<hbm>> -> memref<1x40x128xi32, #tpu.memory_space<hbm>>
      %dma_wait3A_56 = tpu.memref_squeeze %dma_wait3A_55 : memref<1x40x128xi32, #tpu.memory_space<hbm>> -> memref<40x128xi32, #tpu.memory_space<hbm>>
      tpu.wait_dma2 semaphore(%run_scoped3A : memref<!tpu.dma_semaphore, #tpu.memory_space<semaphore_mem>>) src(%dma_wait3A_56 : memref<40x128xi32, #tpu.memory_space<hbm>>) dst(%arg7 : memref<40x128xi32, #tpu.memory_space<vmem>>)
      tpu.yield
    }) : () -> ()
    "tpu.region"() ({
      %run_scoped3A = tpu.sem_alloc : memref<!tpu.dma_semaphore, #tpu.memory_space<semaphore_mem>>
      %dma_start3A_42 = arith.constant 40 : i32
      %dma_start3A_43 = arith.constant 0 : i32
      %dma_start3A_44 = tpu.memref_slice %arg3[%add3A, %dma_start3A_42, %dma_start3A_43] : memref<32x80x128xi32, #tpu.memory_space<hbm>> -> memref<1x40x128xi32, #tpu.memory_space<hbm>>
      %dma_start3A_45 = tpu.memref_squeeze %dma_start3A_44 : memref<1x40x128xi32, #tpu.memory_space<hbm>> -> memref<40x128xi32, #tpu.memory_space<hbm>>
      %dma_start3A_46 = arith.constant 40 : i32
      %dma_start3A_47 = arith.constant 0 : i32
      %dma_start3A_48 = tpu.memref_slice %arg3[%add3A, %dma_start3A_46, %dma_start3A_47] : memref<32x80x128xi32, #tpu.memory_space<hbm>> -> memref<1x40x128xi32, #tpu.memory_space<hbm>>
      %dma_start3A_49 = tpu.memref_squeeze %dma_start3A_48 : memref<1x40x128xi32, #tpu.memory_space<hbm>> -> memref<40x128xi32, #tpu.memory_space<hbm>>
      tpu.enqueue_dma source(%dma_start3A_49 : memref<40x128xi32, #tpu.memory_space<hbm>>) target(%arg8 : memref<40x128xi32, #tpu.memory_space<vmem>>) target_semaphore(%run_scoped3A : memref<!tpu.dma_semaphore, #tpu.memory_space<semaphore_mem>>)
      %dma_wait3A = arith.constant 40 : i32
      %dma_wait3A_50 = arith.constant 0 : i32
      %dma_wait3A_51 = tpu.memref_slice %arg3[%add3A, %dma_wait3A, %dma_wait3A_50] : memref<32x80x128xi32, #tpu.memory_space<hbm>> -> memref<1x40x128xi32, #tpu.memory_space<hbm>>
      %dma_wait3A_52 = tpu.memref_squeeze %dma_wait3A_51 : memref<1x40x128xi32, #tpu.memory_space<hbm>> -> memref<40x128xi32, #tpu.memory_space<hbm>>
      %dma_wait3A_53 = arith.constant 40 : i32
      %dma_wait3A_54 = arith.constant 0 : i32
      %dma_wait3A_55 = tpu.memref_slice %arg3[%add3A, %dma_wait3A_53, %dma_wait3A_54] : memref<32x80x128xi32, #tpu.memory_space<hbm>> -> memref<1x40x128xi32, #tpu.memory_space<hbm>>
      %dma_wait3A_56 = tpu.memref_squeeze %dma_wait3A_55 : memref<1x40x128xi32, #tpu.memory_space<hbm>> -> memref<40x128xi32, #tpu.memory_space<hbm>>
      tpu.wait_dma2 semaphore(%run_scoped3A : memref<!tpu.dma_semaphore, #tpu.memory_space<semaphore_mem>>) src(%dma_wait3A_56 : memref<40x128xi32, #tpu.memory_space<hbm>>) dst(%arg8 : memref<40x128xi32, #tpu.memory_space<vmem>>)
      tpu.yield
    }) : () -> ()
    %dma_start3A_21 = arith.constant 0 : i32
    %dma_start3A_22 = arith.constant 0 : i32
    %dma_start3A_23 = tpu.memref_slice %arg7[%dma_start3A_21, %dma_start3A_22] : memref<40x128xi32, #tpu.memory_space<vmem>> -> memref<1x128xi32, #tpu.memory_space<vmem>>
    %dma_start3A_24 = tpu.memref_squeeze %dma_start3A_23 : memref<1x128xi32, #tpu.memory_space<vmem>> -> memref<128xi32, #tpu.memory_space<vmem>>
    %dma_start3A_25 = arith.constant 0 : i32
    %dma_start3A_26 = arith.constant 0 : i32
    %dma_start3A_27 = tpu.memref_slice %arg4[%dma_start3A_25, %dma_start3A_26] : memref<10240x128xf32, #tpu.memory_space<hbm>> -> memref<10240x128xf32, #tpu.memory_space<hbm>>
    tpu.enqueue_indirect_dma source(%dma_start3A_27 : memref<10240x128xf32, #tpu.memory_space<hbm>>) target(%arg9 : memref<128x128xf32, #tpu.memory_space<vmem>>) offsets(%dma_start3A_24 : memref<128xi32, #tpu.memory_space<vmem>>) semaphore(%arg12 : memref<!tpu.dma_semaphore, #tpu.memory_space<semaphore_mem>>)
    %dma_start3A_28 = arith.constant 1 : i32
    %dma_start3A_29 = arith.constant 0 : i32
    %dma_start3A_30 = tpu.memref_slice %arg7[%dma_start3A_28, %dma_start3A_29] : memref<40x128xi32, #tpu.memory_space<vmem>> -> memref<1x128xi32, #tpu.memory_space<vmem>>
    %dma_start3A_31 = tpu.memref_squeeze %dma_start3A_30 : memref<1x128xi32, #tpu.memory_space<vmem>> -> memref<128xi32, #tpu.memory_space<vmem>>
    %dma_start3A_32 = arith.constant 0 : i32
    %dma_start3A_33 = arith.constant 0 : i32
    %dma_start3A_34 = tpu.memref_slice %arg4[%dma_start3A_32, %dma_start3A_33] : memref<10240x128xf32, #tpu.memory_space<hbm>> -> memref<10240x128xf32, #tpu.memory_space<hbm>>
    tpu.enqueue_indirect_dma source(%dma_start3A_34 : memref<10240x128xf32, #tpu.memory_space<hbm>>) target(%arg10 : memref<128x128xf32, #tpu.memory_space<vmem>>) offsets(%dma_start3A_31 : memref<128xi32, #tpu.memory_space<vmem>>) semaphore(%arg13 : memref<!tpu.dma_semaphore, #tpu.memory_space<semaphore_mem>>)
    %scan3A_35 = arith.constant 0 : i32
    %scan3A_36 = arith.constant 0 : i32
    %scan3A_37 = arith.constant 20 : i32
    %scan3A_38 = arith.addi %scan3A_36, %scan3A_37 : i32
    %scan3A_39 = arith.constant 1 : i32
    scf.for %scan3A_42 = %scan3A_36 to %scan3A_38 step %scan3A_39  : i32 {
      %mul3A_43 = arith.constant 2 : i32
      %mul3A_44 = arith.muli %mul3A_43, %scan3A_42 : i32
      %add3A_45 = arith.constant 0 : i32
      %add3A_46 = arith.addi %mul3A_44, %add3A_45 : i32
      %dma_wait3A = arith.constant 0 : i32
      %dma_wait3A_47 = tpu.memref_slice %arg7[%add3A_46, %dma_wait3A] : memref<40x128xi32, #tpu.memory_space<vmem>> -> memref<1x128xi32, #tpu.memory_space<vmem>>
      %dma_wait3A_48 = tpu.memref_squeeze %dma_wait3A_47 : memref<1x128xi32, #tpu.memory_space<vmem>> -> memref<128xi32, #tpu.memory_space<vmem>>
      %dma_wait3A_49 = arith.constant 0 : i32
      %dma_wait3A_50 = arith.constant 0 : i32
      %dma_wait3A_51 = tpu.memref_slice %arg4[%dma_wait3A_49, %dma_wait3A_50] : memref<10240x128xf32, #tpu.memory_space<hbm>> -> memref<10240x128xf32, #tpu.memory_space<hbm>>
      tpu.wait_indirect_dma semaphore(%arg12 : memref<!tpu.dma_semaphore, #tpu.memory_space<semaphore_mem>>) src(%dma_wait3A_51 : memref<10240x128xf32, #tpu.memory_space<hbm>>) dst(%arg9 : memref<128x128xf32, #tpu.memory_space<vmem>>)
      "tpu.region"() ({
        %run_scoped3A = tpu.sem_alloc : memref<!tpu.dma_semaphore, #tpu.memory_space<semaphore_mem>>
        %dma_start3A_73 = arith.constant 0 : i32
        %dma_start3A_74 = tpu.memref_slice %arg8[%add3A_46, %dma_start3A_73] : memref<40x128xi32, #tpu.memory_space<vmem>> -> memref<1x128xi32, #tpu.memory_space<vmem>>
        %dma_start3A_75 = tpu.memref_squeeze %dma_start3A_74 : memref<1x128xi32, #tpu.memory_space<vmem>> -> memref<128xi32, #tpu.memory_space<vmem>>
        %dma_start3A_76 = arith.constant 0 : i32
        %dma_start3A_77 = arith.constant 0 : i32
        %dma_start3A_78 = tpu.memref_slice %arg11[%dma_start3A_76, %dma_start3A_77] : memref<10240x128xf32, #tpu.memory_space<vmem_shared>> -> memref<10240x128xf32, #tpu.memory_space<vmem_shared>>
        tpu.enqueue_indirect_dma source(%arg9 : memref<128x128xf32, #tpu.memory_space<vmem>>) target(%dma_start3A_78 : memref<10240x128xf32, #tpu.memory_space<vmem_shared>>) offsets(%dma_start3A_75 : memref<128xi32, #tpu.memory_space<vmem>>) semaphore(%run_scoped3A : memref<!tpu.dma_semaphore, #tpu.memory_space<semaphore_mem>>) {add = true}
        %dma_wait3A_79 = arith.constant 0 : i32
        %dma_wait3A_80 = tpu.memref_slice %arg8[%add3A_46, %dma_wait3A_79] : memref<40x128xi32, #tpu.memory_space<vmem>> -> memref<1x128xi32, #tpu.memory_space<vmem>>
        %dma_wait3A_81 = tpu.memref_squeeze %dma_wait3A_80 : memref<1x128xi32, #tpu.memory_space<vmem>> -> memref<128xi32, #tpu.memory_space<vmem>>
        %dma_wait3A_82 = arith.constant 0 : i32
        %dma_wait3A_83 = arith.constant 0 : i32
        %dma_wait3A_84 = tpu.memref_slice %arg11[%dma_wait3A_82, %dma_wait3A_83] : memref<10240x128xf32, #tpu.memory_space<vmem_shared>> -> memref<10240x128xf32, #tpu.memory_space<vmem_shared>>
        tpu.wait_indirect_dma semaphore(%run_scoped3A : memref<!tpu.dma_semaphore, #tpu.memory_space<semaphore_mem>>) src(%arg9 : memref<128x128xf32, #tpu.memory_space<vmem>>) dst(%dma_wait3A_84 : memref<10240x128xf32, #tpu.memory_space<vmem_shared>>)
        tpu.yield
      }) : () -> ()
      %add3A_52 = arith.constant 2 : i32
      %add3A_53 = arith.addi %add3A_46, %add3A_52 : i32
      %lt3A = arith.constant 40 : i32
      %lt3A_54 = arith.cmpi slt, %add3A_53, %lt3A : i32
      %convert_element_type3A = arith.extui %lt3A_54 : i1 to i32
      %cond3A = arith.constant 0 : i32
      %cond3A_55 = arith.cmpi ne, %convert_element_type3A, %cond3A : i32
      scf.if %cond3A_55 {
        %add3A_73 = arith.constant 2 : i32
        %add3A_74 = arith.addi %add3A_46, %add3A_73 : i32
        %dma_start3A_75 = arith.constant 0 : i32
        %dma_start3A_76 = tpu.memref_slice %arg7[%add3A_74, %dma_start3A_75] : memref<40x128xi32, #tpu.memory_space<vmem>> -> memref<1x128xi32, #tpu.memory_space<vmem>>
        %dma_start3A_77 = tpu.memref_squeeze %dma_start3A_76 : memref<1x128xi32, #tpu.memory_space<vmem>> -> memref<128xi32, #tpu.memory_space<vmem>>
        %dma_start3A_78 = arith.constant 0 : i32
        %dma_start3A_79 = arith.constant 0 : i32
        %dma_start3A_80 = tpu.memref_slice %arg4[%dma_start3A_78, %dma_start3A_79] : memref<10240x128xf32, #tpu.memory_space<hbm>> -> memref<10240x128xf32, #tpu.memory_space<hbm>>
        tpu.enqueue_indirect_dma source(%dma_start3A_80 : memref<10240x128xf32, #tpu.memory_space<hbm>>) target(%arg9 : memref<128x128xf32, #tpu.memory_space<vmem>>) offsets(%dma_start3A_77 : memref<128xi32, #tpu.memory_space<vmem>>) semaphore(%arg12 : memref<!tpu.dma_semaphore, #tpu.memory_space<semaphore_mem>>)
      } else {
      }
      %mul3A_56 = arith.constant 2 : i32
      %mul3A_57 = arith.muli %mul3A_56, %scan3A_42 : i32
      %add3A_58 = arith.constant 1 : i32
      %add3A_59 = arith.addi %mul3A_57, %add3A_58 : i32
      %dma_wait3A_60 = arith.constant 0 : i32
      %dma_wait3A_61 = tpu.memref_slice %arg7[%add3A_59, %dma_wait3A_60] : memref<40x128xi32, #tpu.memory_space<vmem>> -> memref<1x128xi32, #tpu.memory_space<vmem>>
      %dma_wait3A_62 = tpu.memref_squeeze %dma_wait3A_61 : memref<1x128xi32, #tpu.memory_space<vmem>> -> memref<128xi32, #tpu.memory_space<vmem>>
      %dma_wait3A_63 = arith.constant 0 : i32
      %dma_wait3A_64 = arith.constant 0 : i32
      %dma_wait3A_65 = tpu.memref_slice %arg4[%dma_wait3A_63, %dma_wait3A_64] : memref<10240x128xf32, #tpu.memory_space<hbm>> -> memref<10240x128xf32, #tpu.memory_space<hbm>>
      tpu.wait_indirect_dma semaphore(%arg13 : memref<!tpu.dma_semaphore, #tpu.memory_space<semaphore_mem>>) src(%dma_wait3A_65 : memref<10240x128xf32, #tpu.memory_space<hbm>>) dst(%arg10 : memref<128x128xf32, #tpu.memory_space<vmem>>)
      "tpu.region"() ({
        %run_scoped3A = tpu.sem_alloc : memref<!tpu.dma_semaphore, #tpu.memory_space<semaphore_mem>>
        %dma_start3A_73 = arith.constant 0 : i32
        %dma_start3A_74 = tpu.memref_slice %arg8[%add3A_59, %dma_start3A_73] : memref<40x128xi32, #tpu.memory_space<vmem>> -> memref<1x128xi32, #tpu.memory_space<vmem>>
        %dma_start3A_75 = tpu.memref_squeeze %dma_start3A_74 : memref<1x128xi32, #tpu.memory_space<vmem>> -> memref<128xi32, #tpu.memory_space<vmem>>
        %dma_start3A_76 = arith.constant 0 : i32
        %dma_start3A_77 = arith.constant 0 : i32
        %dma_start3A_78 = tpu.memref_slice %arg11[%dma_start3A_76, %dma_start3A_77] : memref<10240x128xf32, #tpu.memory_space<vmem_shared>> -> memref<10240x128xf32, #tpu.memory_space<vmem_shared>>
        tpu.enqueue_indirect_dma source(%arg10 : memref<128x128xf32, #tpu.memory_space<vmem>>) target(%dma_start3A_78 : memref<10240x128xf32, #tpu.memory_space<vmem_shared>>) offsets(%dma_start3A_75 : memref<128xi32, #tpu.memory_space<vmem>>) semaphore(%run_scoped3A : memref<!tpu.dma_semaphore, #tpu.memory_space<semaphore_mem>>) {add = true}
        %dma_wait3A_79 = arith.constant 0 : i32
        %dma_wait3A_80 = tpu.memref_slice %arg8[%add3A_59, %dma_wait3A_79] : memref<40x128xi32, #tpu.memory_space<vmem>> -> memref<1x128xi32, #tpu.memory_space<vmem>>
        %dma_wait3A_81 = tpu.memref_squeeze %dma_wait3A_80 : memref<1x128xi32, #tpu.memory_space<vmem>> -> memref<128xi32, #tpu.memory_space<vmem>>
        %dma_wait3A_82 = arith.constant 0 : i32
        %dma_wait3A_83 = arith.constant 0 : i32
        %dma_wait3A_84 = tpu.memref_slice %arg11[%dma_wait3A_82, %dma_wait3A_83] : memref<10240x128xf32, #tpu.memory_space<vmem_shared>> -> memref<10240x128xf32, #tpu.memory_space<vmem_shared>>
        tpu.wait_indirect_dma semaphore(%run_scoped3A : memref<!tpu.dma_semaphore, #tpu.memory_space<semaphore_mem>>) src(%arg10 : memref<128x128xf32, #tpu.memory_space<vmem>>) dst(%dma_wait3A_84 : memref<10240x128xf32, #tpu.memory_space<vmem_shared>>)
        tpu.yield
      }) : () -> ()
      %add3A_66 = arith.constant 2 : i32
      %add3A_67 = arith.addi %add3A_59, %add3A_66 : i32
      %lt3A_68 = arith.constant 40 : i32
      %lt3A_69 = arith.cmpi slt, %add3A_67, %lt3A_68 : i32
      %convert_element_type3A_70 = arith.extui %lt3A_69 : i1 to i32
      %cond3A_71 = arith.constant 0 : i32
      %cond3A_72 = arith.cmpi ne, %convert_element_type3A_70, %cond3A_71 : i32
      scf.if %cond3A_72 {
        %add3A_73 = arith.constant 2 : i32
        %add3A_74 = arith.addi %add3A_59, %add3A_73 : i32
        %dma_start3A_75 = arith.constant 0 : i32
        %dma_start3A_76 = tpu.memref_slice %arg7[%add3A_74, %dma_start3A_75] : memref<40x128xi32, #tpu.memory_space<vmem>> -> memref<1x128xi32, #tpu.memory_space<vmem>>
        %dma_start3A_77 = tpu.memref_squeeze %dma_start3A_76 : memref<1x128xi32, #tpu.memory_space<vmem>> -> memref<128xi32, #tpu.memory_space<vmem>>
        %dma_start3A_78 = arith.constant 0 : i32
        %dma_start3A_79 = arith.constant 0 : i32
        %dma_start3A_80 = tpu.memref_slice %arg4[%dma_start3A_78, %dma_start3A_79] : memref<10240x128xf32, #tpu.memory_space<hbm>> -> memref<10240x128xf32, #tpu.memory_space<hbm>>
        tpu.enqueue_indirect_dma source(%dma_start3A_80 : memref<10240x128xf32, #tpu.memory_space<hbm>>) target(%arg10 : memref<128x128xf32, #tpu.memory_space<vmem>>) offsets(%dma_start3A_77 : memref<128xi32, #tpu.memory_space<vmem>>) semaphore(%arg13 : memref<!tpu.dma_semaphore, #tpu.memory_space<semaphore_mem>>)
      } else {
      }
    }
    %scan3A_40 = arith.constant 20 : i32
    %barrier3A_41 = arith.constant 0 : index
    tpu.barrier barrier_id(%barrier3A_41)
    "tpu.region"() ({
      %run_scoped3A = tpu.sem_alloc : memref<!tpu.dma_semaphore, #tpu.memory_space<semaphore_mem>>
      %dma_start3A_42 = arith.constant 0 : i32
      %dma_start3A_43 = tpu.memref_slice %arg6[%arg0, %mul3A_2, %dma_start3A_42] : memref<2x10240x128xf32, #tpu.memory_space<hbm>> -> memref<1x640x128xf32, #tpu.memory_space<hbm>>
      %dma_start3A_44 = tpu.memref_squeeze %dma_start3A_43 : memref<1x640x128xf32, #tpu.memory_space<hbm>> -> memref<640x128xf32, #tpu.memory_space<hbm>>
      %dma_start3A_45 = arith.constant 0 : i32
      %dma_start3A_46 = tpu.memref_slice %arg11[%mul3A_2, %dma_start3A_45] : memref<10240x128xf32, #tpu.memory_space<vmem_shared>> -> memref<640x128xf32, #tpu.memory_space<vmem_shared>>
      tpu.enqueue_dma source(%dma_start3A_46 : memref<640x128xf32, #tpu.memory_space<vmem_shared>>) target(%dma_start3A_44 : memref<640x128xf32, #tpu.memory_space<hbm>>) target_semaphore(%run_scoped3A : memref<!tpu.dma_semaphore, #tpu.memory_space<semaphore_mem>>)
      %dma_wait3A = arith.constant 0 : i32
      %dma_wait3A_47 = tpu.memref_slice %arg6[%arg0, %mul3A_2, %dma_wait3A] : memref<2x10240x128xf32, #tpu.memory_space<hbm>> -> memref<1x640x128xf32, #tpu.memory_space<hbm>>
      %dma_wait3A_48 = tpu.memref_squeeze %dma_wait3A_47 : memref<1x640x128xf32, #tpu.memory_space<hbm>> -> memref<640x128xf32, #tpu.memory_space<hbm>>
      %dma_wait3A_49 = arith.constant 0 : i32
      %dma_wait3A_50 = tpu.memref_slice %arg11[%mul3A_2, %dma_wait3A_49] : memref<10240x128xf32, #tpu.memory_space<vmem_shared>> -> memref<640x128xf32, #tpu.memory_space<vmem_shared>>
      tpu.wait_dma2 semaphore(%run_scoped3A : memref<!tpu.dma_semaphore, #tpu.memory_space<semaphore_mem>>) src(%dma_wait3A_50 : memref<640x128xf32, #tpu.memory_space<vmem_shared>>) dst(%dma_wait3A_48 : memref<640x128xf32, #tpu.memory_space<hbm>>)
      tpu.yield
    }) : () -> ()
    return
  }
}

#map = affine_map<(d0, d1) -> (0, 0, 0)>
#map1 = affine_map<(d0, d1) -> (0, 0)>
module attributes {stable_mosaic.version = 14 : i64} {
  func.func @agg_kernel(%arg0: i32, %arg1: i32, %arg2: memref<32x80x128xi32, #tpu.memory_space<hbm>>, %arg3: memref<32x80x128xi32, #tpu.memory_space<hbm>>, %arg4: memref<10240x128xf32, #tpu.memory_space<hbm>>, %arg5: memref<10240x128xf32, #tpu.memory_space<hbm>>, %arg6: memref<2x10240x128xf32, #tpu.memory_space<hbm>>, %arg7: memref<40x128xi32, #tpu.memory_space<vmem>>, %arg8: memref<40x128xi32, #tpu.memory_space<vmem>>, %arg9: memref<128x128xf32, #tpu.memory_space<vmem>>, %arg10: memref<128x128xf32, #tpu.memory_space<vmem>>, %arg11: memref<10240x128xf32, #tpu.memory_space<vmem_shared>>, %arg12: memref<!tpu.dma_semaphore, #tpu.memory_space<semaphore_mem>>, %arg13: memref<!tpu.dma_semaphore, #tpu.memory_space<semaphore_mem>>) attributes {dimension_semantics = [#tpu.dimension_semantics<core_parallel>, #tpu.dimension_semantics<subcore_parallel>], iteration_bounds = array<i64: 2, 16>, scalar_prefetch = 0 : i64, scratch_operands = 7 : i64, tpu.core_type = #tpu.core_type<sc_vector_subcore>, window_params = [{transform_indices = #map}, {transform_indices = #map}, {transform_indices = #map1}, {transform_indices = #map1}, {transform_indices = #map}]} {
    %mul3A = arith.constant 16 : i32
    %mul3A_0 = arith.muli %arg0, %mul3A : i32
    %add3A = arith.addi %mul3A_0, %arg1 : i32
    %mul3A_1 = arith.constant 640 : i32
    %mul3A_2 = arith.muli %arg1, %mul3A_1 : i32
    "tpu.region"() ({
      %run_scoped3A = tpu.sem_alloc : memref<!tpu.dma_semaphore, #tpu.memory_space<semaphore_mem>>
      %dma_start3A_42 = arith.constant 0 : i32
      %dma_start3A_43 = tpu.memref_slice %arg11[%mul3A_2, %dma_start3A_42] : memref<10240x128xf32, #tpu.memory_space<vmem_shared>> -> memref<640x128xf32, #tpu.memory_space<vmem_shared>>
      %dma_start3A_44 = arith.constant 0 : i32
      %dma_start3A_45 = tpu.memref_slice %arg5[%mul3A_2, %dma_start3A_44] : memref<10240x128xf32, #tpu.memory_space<hbm>> -> memref<640x128xf32, #tpu.memory_space<hbm>>
      tpu.enqueue_dma source(%dma_start3A_45 : memref<640x128xf32, #tpu.memory_space<hbm>>) target(%dma_start3A_43 : memref<640x128xf32, #tpu.memory_space<vmem_shared>>) target_semaphore(%run_scoped3A : memref<!tpu.dma_semaphore, #tpu.memory_space<semaphore_mem>>)
      %dma_wait3A = arith.constant 0 : i32
      %dma_wait3A_46 = tpu.memref_slice %arg11[%mul3A_2, %dma_wait3A] : memref<10240x128xf32, #tpu.memory_space<vmem_shared>> -> memref<640x128xf32, #tpu.memory_space<vmem_shared>>
      %dma_wait3A_47 = arith.constant 0 : i32
      %dma_wait3A_48 = tpu.memref_slice %arg5[%mul3A_2, %dma_wait3A_47] : memref<10240x128xf32, #tpu.memory_space<hbm>> -> memref<640x128xf32, #tpu.memory_space<hbm>>
      tpu.wait_dma2 semaphore(%run_scoped3A : memref<!tpu.dma_semaphore, #tpu.memory_space<semaphore_mem>>) src(%dma_wait3A_48 : memref<640x128xf32, #tpu.memory_space<hbm>>) dst(%dma_wait3A_46 : memref<640x128xf32, #tpu.memory_space<vmem_shared>>)
      tpu.yield
    }) : () -> ()
    %barrier3A = arith.constant 0 : index
    tpu.barrier barrier_id(%barrier3A)
    "tpu.region"() ({
      %run_scoped3A = tpu.sem_alloc : memref<!tpu.dma_semaphore, #tpu.memory_space<semaphore_mem>>
      %dma_start3A_42 = arith.constant 0 : i32
      %dma_start3A_43 = arith.constant 0 : i32
      %dma_start3A_44 = tpu.memref_slice %arg2[%add3A, %dma_start3A_42, %dma_start3A_43] : memref<32x80x128xi32, #tpu.memory_space<hbm>> -> memref<1x40x128xi32, #tpu.memory_space<hbm>>
      %dma_start3A_45 = tpu.memref_squeeze %dma_start3A_44 : memref<1x40x128xi32, #tpu.memory_space<hbm>> -> memref<40x128xi32, #tpu.memory_space<hbm>>
      %dma_start3A_46 = arith.constant 0 : i32
      %dma_start3A_47 = arith.constant 0 : i32
      %dma_start3A_48 = tpu.memref_slice %arg2[%add3A, %dma_start3A_46, %dma_start3A_47] : memref<32x80x128xi32, #tpu.memory_space<hbm>> -> memref<1x40x128xi32, #tpu.memory_space<hbm>>
      %dma_start3A_49 = tpu.memref_squeeze %dma_start3A_48 : memref<1x40x128xi32, #tpu.memory_space<hbm>> -> memref<40x128xi32, #tpu.memory_space<hbm>>
      tpu.enqueue_dma source(%dma_start3A_49 : memref<40x128xi32, #tpu.memory_space<hbm>>) target(%arg7 : memref<40x128xi32, #tpu.memory_space<vmem>>) target_semaphore(%run_scoped3A : memref<!tpu.dma_semaphore, #tpu.memory_space<semaphore_mem>>)
      %dma_wait3A = arith.constant 0 : i32
      %dma_wait3A_50 = arith.constant 0 : i32
      %dma_wait3A_51 = tpu.memref_slice %arg2[%add3A, %dma_wait3A, %dma_wait3A_50] : memref<32x80x128xi32, #tpu.memory_space<hbm>> -> memref<1x40x128xi32, #tpu.memory_space<hbm>>
      %dma_wait3A_52 = tpu.memref_squeeze %dma_wait3A_51 : memref<1x40x128xi32, #tpu.memory_space<hbm>> -> memref<40x128xi32, #tpu.memory_space<hbm>>
      %dma_wait3A_53 = arith.constant 0 : i32
      %dma_wait3A_54 = arith.constant 0 : i32
      %dma_wait3A_55 = tpu.memref_slice %arg2[%add3A, %dma_wait3A_53, %dma_wait3A_54] : memref<32x80x128xi32, #tpu.memory_space<hbm>> -> memref<1x40x128xi32, #tpu.memory_space<hbm>>
      %dma_wait3A_56 = tpu.memref_squeeze %dma_wait3A_55 : memref<1x40x128xi32, #tpu.memory_space<hbm>> -> memref<40x128xi32, #tpu.memory_space<hbm>>
      tpu.wait_dma2 semaphore(%run_scoped3A : memref<!tpu.dma_semaphore, #tpu.memory_space<semaphore_mem>>) src(%dma_wait3A_56 : memref<40x128xi32, #tpu.memory_space<hbm>>) dst(%arg7 : memref<40x128xi32, #tpu.memory_space<vmem>>)
      tpu.yield
    }) : () -> ()
    "tpu.region"() ({
      %run_scoped3A = tpu.sem_alloc : memref<!tpu.dma_semaphore, #tpu.memory_space<semaphore_mem>>
      %dma_start3A_42 = arith.constant 0 : i32
      %dma_start3A_43 = arith.constant 0 : i32
      %dma_start3A_44 = tpu.memref_slice %arg3[%add3A, %dma_start3A_42, %dma_start3A_43] : memref<32x80x128xi32, #tpu.memory_space<hbm>> -> memref<1x40x128xi32, #tpu.memory_space<hbm>>
      %dma_start3A_45 = tpu.memref_squeeze %dma_start3A_44 : memref<1x40x128xi32, #tpu.memory_space<hbm>> -> memref<40x128xi32, #tpu.memory_space<hbm>>
      %dma_start3A_46 = arith.constant 0 : i32
      %dma_start3A_47 = arith.constant 0 : i32
      %dma_start3A_48 = tpu.memref_slice %arg3[%add3A, %dma_start3A_46, %dma_start3A_47] : memref<32x80x128xi32, #tpu.memory_space<hbm>> -> memref<1x40x128xi32, #tpu.memory_space<hbm>>
      %dma_start3A_49 = tpu.memref_squeeze %dma_start3A_48 : memref<1x40x128xi32, #tpu.memory_space<hbm>> -> memref<40x128xi32, #tpu.memory_space<hbm>>
      tpu.enqueue_dma source(%dma_start3A_49 : memref<40x128xi32, #tpu.memory_space<hbm>>) target(%arg8 : memref<40x128xi32, #tpu.memory_space<vmem>>) target_semaphore(%run_scoped3A : memref<!tpu.dma_semaphore, #tpu.memory_space<semaphore_mem>>)
      %dma_wait3A = arith.constant 0 : i32
      %dma_wait3A_50 = arith.constant 0 : i32
      %dma_wait3A_51 = tpu.memref_slice %arg3[%add3A, %dma_wait3A, %dma_wait3A_50] : memref<32x80x128xi32, #tpu.memory_space<hbm>> -> memref<1x40x128xi32, #tpu.memory_space<hbm>>
      %dma_wait3A_52 = tpu.memref_squeeze %dma_wait3A_51 : memref<1x40x128xi32, #tpu.memory_space<hbm>> -> memref<40x128xi32, #tpu.memory_space<hbm>>
      %dma_wait3A_53 = arith.constant 0 : i32
      %dma_wait3A_54 = arith.constant 0 : i32
      %dma_wait3A_55 = tpu.memref_slice %arg3[%add3A, %dma_wait3A_53, %dma_wait3A_54] : memref<32x80x128xi32, #tpu.memory_space<hbm>> -> memref<1x40x128xi32, #tpu.memory_space<hbm>>
      %dma_wait3A_56 = tpu.memref_squeeze %dma_wait3A_55 : memref<1x40x128xi32, #tpu.memory_space<hbm>> -> memref<40x128xi32, #tpu.memory_space<hbm>>
      tpu.wait_dma2 semaphore(%run_scoped3A : memref<!tpu.dma_semaphore, #tpu.memory_space<semaphore_mem>>) src(%dma_wait3A_56 : memref<40x128xi32, #tpu.memory_space<hbm>>) dst(%arg8 : memref<40x128xi32, #tpu.memory_space<vmem>>)
      tpu.yield
    }) : () -> ()
    %dma_start3A = arith.constant 0 : i32
    %dma_start3A_3 = arith.constant 0 : i32
    %dma_start3A_4 = tpu.memref_slice %arg7[%dma_start3A, %dma_start3A_3] : memref<40x128xi32, #tpu.memory_space<vmem>> -> memref<1x128xi32, #tpu.memory_space<vmem>>
    %dma_start3A_5 = tpu.memref_squeeze %dma_start3A_4 : memref<1x128xi32, #tpu.memory_space<vmem>> -> memref<128xi32, #tpu.memory_space<vmem>>
    %dma_start3A_6 = arith.constant 0 : i32
    %dma_start3A_7 = arith.constant 0 : i32
    %dma_start3A_8 = tpu.memref_slice %arg4[%dma_start3A_6, %dma_start3A_7] : memref<10240x128xf32, #tpu.memory_space<hbm>> -> memref<10240x128xf32, #tpu.memory_space<hbm>>
    tpu.enqueue_indirect_dma source(%dma_start3A_8 : memref<10240x128xf32, #tpu.memory_space<hbm>>) target(%arg9 : memref<128x128xf32, #tpu.memory_space<vmem>>) offsets(%dma_start3A_5 : memref<128xi32, #tpu.memory_space<vmem>>) semaphore(%arg12 : memref<!tpu.dma_semaphore, #tpu.memory_space<semaphore_mem>>)
    %dma_start3A_9 = arith.constant 1 : i32
    %dma_start3A_10 = arith.constant 0 : i32
    %dma_start3A_11 = tpu.memref_slice %arg7[%dma_start3A_9, %dma_start3A_10] : memref<40x128xi32, #tpu.memory_space<vmem>> -> memref<1x128xi32, #tpu.memory_space<vmem>>
    %dma_start3A_12 = tpu.memref_squeeze %dma_start3A_11 : memref<1x128xi32, #tpu.memory_space<vmem>> -> memref<128xi32, #tpu.memory_space<vmem>>
    %dma_start3A_13 = arith.constant 0 : i32
    %dma_start3A_14 = arith.constant 0 : i32
    %dma_start3A_15 = tpu.memref_slice %arg4[%dma_start3A_13, %dma_start3A_14] : memref<10240x128xf32, #tpu.memory_space<hbm>> -> memref<10240x128xf32, #tpu.memory_space<hbm>>
    tpu.enqueue_indirect_dma source(%dma_start3A_15 : memref<10240x128xf32, #tpu.memory_space<hbm>>) target(%arg10 : memref<128x128xf32, #tpu.memory_space<vmem>>) offsets(%dma_start3A_12 : memref<128xi32, #tpu.memory_space<vmem>>) semaphore(%arg13 : memref<!tpu.dma_semaphore, #tpu.memory_space<semaphore_mem>>)
    %scan3A = arith.constant 0 : i32
    %scan3A_16 = arith.constant 0 : i32
    %scan3A_17 = arith.constant 20 : i32
    %scan3A_18 = arith.addi %scan3A_16, %scan3A_17 : i32
    %scan3A_19 = arith.constant 1 : i32
    scf.for %scan3A_42 = %scan3A_16 to %scan3A_18 step %scan3A_19  : i32 {
      %mul3A_43 = arith.constant 2 : i32
      %mul3A_44 = arith.muli %mul3A_43, %scan3A_42 : i32
      %add3A_45 = arith.constant 0 : i32
      %add3A_46 = arith.addi %mul3A_44, %add3A_45 : i32
      %dma_wait3A = arith.constant 0 : i32
      %dma_wait3A_47 = tpu.memref_slice %arg7[%add3A_46, %dma_wait3A] : memref<40x128xi32, #tpu.memory_space<vmem>> -> memref<1x128xi32, #tpu.memory_space<vmem>>
      %dma_wait3A_48 = tpu.memref_squeeze %dma_wait3A_47 : memref<1x128xi32, #tpu.memory_space<vmem>> -> memref<128xi32, #tpu.memory_space<vmem>>
      %dma_wait3A_49 = arith.constant 0 : i32
      %dma_wait3A_50 = arith.constant 0 : i32
      %dma_wait3A_51 = tpu.memref_slice %arg4[%dma_wait3A_49, %dma_wait3A_50] : memref<10240x128xf32, #tpu.memory_space<hbm>> -> memref<10240x128xf32, #tpu.memory_space<hbm>>
      tpu.wait_indirect_dma semaphore(%arg12 : memref<!tpu.dma_semaphore, #tpu.memory_space<semaphore_mem>>) src(%dma_wait3A_51 : memref<10240x128xf32, #tpu.memory_space<hbm>>) dst(%arg9 : memref<128x128xf32, #tpu.memory_space<vmem>>)
      "tpu.region"() ({
        %run_scoped3A = tpu.sem_alloc : memref<!tpu.dma_semaphore, #tpu.memory_space<semaphore_mem>>
        %dma_start3A_73 = arith.constant 0 : i32
        %dma_start3A_74 = tpu.memref_slice %arg8[%add3A_46, %dma_start3A_73] : memref<40x128xi32, #tpu.memory_space<vmem>> -> memref<1x128xi32, #tpu.memory_space<vmem>>
        %dma_start3A_75 = tpu.memref_squeeze %dma_start3A_74 : memref<1x128xi32, #tpu.memory_space<vmem>> -> memref<128xi32, #tpu.memory_space<vmem>>
        %dma_start3A_76 = arith.constant 0 : i32
        %dma_start3A_77 = arith.constant 0 : i32
        %dma_start3A_78 = tpu.memref_slice %arg11[%dma_start3A_76, %dma_start3A_77] : memref<10240x128xf32, #tpu.memory_space<vmem_shared>> -> memref<10240x128xf32, #tpu.memory_space<vmem_shared>>
        tpu.enqueue_indirect_dma source(%arg9 : memref<128x128xf32, #tpu.memory_space<vmem>>) target(%dma_start3A_78 : memref<10240x128xf32, #tpu.memory_space<vmem_shared>>) offsets(%dma_start3A_75 : memref<128xi32, #tpu.memory_space<vmem>>) semaphore(%run_scoped3A : memref<!tpu.dma_semaphore, #tpu.memory_space<semaphore_mem>>) {add = true}
        %dma_wait3A_79 = arith.constant 0 : i32
        %dma_wait3A_80 = tpu.memref_slice %arg8[%add3A_46, %dma_wait3A_79] : memref<40x128xi32, #tpu.memory_space<vmem>> -> memref<1x128xi32, #tpu.memory_space<vmem>>
        %dma_wait3A_81 = tpu.memref_squeeze %dma_wait3A_80 : memref<1x128xi32, #tpu.memory_space<vmem>> -> memref<128xi32, #tpu.memory_space<vmem>>
        %dma_wait3A_82 = arith.constant 0 : i32
        %dma_wait3A_83 = arith.constant 0 : i32
        %dma_wait3A_84 = tpu.memref_slice %arg11[%dma_wait3A_82, %dma_wait3A_83] : memref<10240x128xf32, #tpu.memory_space<vmem_shared>> -> memref<10240x128xf32, #tpu.memory_space<vmem_shared>>
        tpu.wait_indirect_dma semaphore(%run_scoped3A : memref<!tpu.dma_semaphore, #tpu.memory_space<semaphore_mem>>) src(%arg9 : memref<128x128xf32, #tpu.memory_space<vmem>>) dst(%dma_wait3A_84 : memref<10240x128xf32, #tpu.memory_space<vmem_shared>>)
        tpu.yield
      }) : () -> ()
      %add3A_52 = arith.constant 2 : i32
      %add3A_53 = arith.addi %add3A_46, %add3A_52 : i32
      %lt3A = arith.constant 40 : i32
      %lt3A_54 = arith.cmpi slt, %add3A_53, %lt3A : i32
      %convert_element_type3A = arith.extui %lt3A_54 : i1 to i32
      %cond3A = arith.constant 0 : i32
      %cond3A_55 = arith.cmpi ne, %convert_element_type3A, %cond3A : i32
      scf.if %cond3A_55 {
        %add3A_73 = arith.constant 2 : i32
        %add3A_74 = arith.addi %add3A_46, %add3A_73 : i32
        %dma_start3A_75 = arith.constant 0 : i32
        %dma_start3A_76 = tpu.memref_slice %arg7[%add3A_74, %dma_start3A_75] : memref<40x128xi32, #tpu.memory_space<vmem>> -> memref<1x128xi32, #tpu.memory_space<vmem>>
        %dma_start3A_77 = tpu.memref_squeeze %dma_start3A_76 : memref<1x128xi32, #tpu.memory_space<vmem>> -> memref<128xi32, #tpu.memory_space<vmem>>
        %dma_start3A_78 = arith.constant 0 : i32
        %dma_start3A_79 = arith.constant 0 : i32
        %dma_start3A_80 = tpu.memref_slice %arg4[%dma_start3A_78, %dma_start3A_79] : memref<10240x128xf32, #tpu.memory_space<hbm>> -> memref<10240x128xf32, #tpu.memory_space<hbm>>
        tpu.enqueue_indirect_dma source(%dma_start3A_80 : memref<10240x128xf32, #tpu.memory_space<hbm>>) target(%arg9 : memref<128x128xf32, #tpu.memory_space<vmem>>) offsets(%dma_start3A_77 : memref<128xi32, #tpu.memory_space<vmem>>) semaphore(%arg12 : memref<!tpu.dma_semaphore, #tpu.memory_space<semaphore_mem>>)
      } else {
      }
      %mul3A_56 = arith.constant 2 : i32
      %mul3A_57 = arith.muli %mul3A_56, %scan3A_42 : i32
      %add3A_58 = arith.constant 1 : i32
      %add3A_59 = arith.addi %mul3A_57, %add3A_58 : i32
      %dma_wait3A_60 = arith.constant 0 : i32
      %dma_wait3A_61 = tpu.memref_slice %arg7[%add3A_59, %dma_wait3A_60] : memref<40x128xi32, #tpu.memory_space<vmem>> -> memref<1x128xi32, #tpu.memory_space<vmem>>
      %dma_wait3A_62 = tpu.memref_squeeze %dma_wait3A_61 : memref<1x128xi32, #tpu.memory_space<vmem>> -> memref<128xi32, #tpu.memory_space<vmem>>
      %dma_wait3A_63 = arith.constant 0 : i32
      %dma_wait3A_64 = arith.constant 0 : i32
      %dma_wait3A_65 = tpu.memref_slice %arg4[%dma_wait3A_63, %dma_wait3A_64] : memref<10240x128xf32, #tpu.memory_space<hbm>> -> memref<10240x128xf32, #tpu.memory_space<hbm>>
      tpu.wait_indirect_dma semaphore(%arg13 : memref<!tpu.dma_semaphore, #tpu.memory_space<semaphore_mem>>) src(%dma_wait3A_65 : memref<10240x128xf32, #tpu.memory_space<hbm>>) dst(%arg10 : memref<128x128xf32, #tpu.memory_space<vmem>>)
      "tpu.region"() ({
        %run_scoped3A = tpu.sem_alloc : memref<!tpu.dma_semaphore, #tpu.memory_space<semaphore_mem>>
        %dma_start3A_73 = arith.constant 0 : i32
        %dma_start3A_74 = tpu.memref_slice %arg8[%add3A_59, %dma_start3A_73] : memref<40x128xi32, #tpu.memory_space<vmem>> -> memref<1x128xi32, #tpu.memory_space<vmem>>
        %dma_start3A_75 = tpu.memref_squeeze %dma_start3A_74 : memref<1x128xi32, #tpu.memory_space<vmem>> -> memref<128xi32, #tpu.memory_space<vmem>>
        %dma_start3A_76 = arith.constant 0 : i32
        %dma_start3A_77 = arith.constant 0 : i32
        %dma_start3A_78 = tpu.memref_slice %arg11[%dma_start3A_76, %dma_start3A_77] : memref<10240x128xf32, #tpu.memory_space<vmem_shared>> -> memref<10240x128xf32, #tpu.memory_space<vmem_shared>>
        tpu.enqueue_indirect_dma source(%arg10 : memref<128x128xf32, #tpu.memory_space<vmem>>) target(%dma_start3A_78 : memref<10240x128xf32, #tpu.memory_space<vmem_shared>>) offsets(%dma_start3A_75 : memref<128xi32, #tpu.memory_space<vmem>>) semaphore(%run_scoped3A : memref<!tpu.dma_semaphore, #tpu.memory_space<semaphore_mem>>) {add = true}
        %dma_wait3A_79 = arith.constant 0 : i32
        %dma_wait3A_80 = tpu.memref_slice %arg8[%add3A_59, %dma_wait3A_79] : memref<40x128xi32, #tpu.memory_space<vmem>> -> memref<1x128xi32, #tpu.memory_space<vmem>>
        %dma_wait3A_81 = tpu.memref_squeeze %dma_wait3A_80 : memref<1x128xi32, #tpu.memory_space<vmem>> -> memref<128xi32, #tpu.memory_space<vmem>>
        %dma_wait3A_82 = arith.constant 0 : i32
        %dma_wait3A_83 = arith.constant 0 : i32
        %dma_wait3A_84 = tpu.memref_slice %arg11[%dma_wait3A_82, %dma_wait3A_83] : memref<10240x128xf32, #tpu.memory_space<vmem_shared>> -> memref<10240x128xf32, #tpu.memory_space<vmem_shared>>
        tpu.wait_indirect_dma semaphore(%run_scoped3A : memref<!tpu.dma_semaphore, #tpu.memory_space<semaphore_mem>>) src(%arg10 : memref<128x128xf32, #tpu.memory_space<vmem>>) dst(%dma_wait3A_84 : memref<10240x128xf32, #tpu.memory_space<vmem_shared>>)
        tpu.yield
      }) : () -> ()
      %add3A_66 = arith.constant 2 : i32
      %add3A_67 = arith.addi %add3A_59, %add3A_66 : i32
      %lt3A_68 = arith.constant 40 : i32
      %lt3A_69 = arith.cmpi slt, %add3A_67, %lt3A_68 : i32
      %convert_element_type3A_70 = arith.extui %lt3A_69 : i1 to i32
      %cond3A_71 = arith.constant 0 : i32
      %cond3A_72 = arith.cmpi ne, %convert_element_type3A_70, %cond3A_71 : i32
      scf.if %cond3A_72 {
        %add3A_73 = arith.constant 2 : i32
        %add3A_74 = arith.addi %add3A_59, %add3A_73 : i32
        %dma_start3A_75 = arith.constant 0 : i32
        %dma_start3A_76 = tpu.memref_slice %arg7[%add3A_74, %dma_start3A_75] : memref<40x128xi32, #tpu.memory_space<vmem>> -> memref<1x128xi32, #tpu.memory_space<vmem>>
        %dma_start3A_77 = tpu.memref_squeeze %dma_start3A_76 : memref<1x128xi32, #tpu.memory_space<vmem>> -> memref<128xi32, #tpu.memory_space<vmem>>
        %dma_start3A_78 = arith.constant 0 : i32
        %dma_start3A_79 = arith.constant 0 : i32
        %dma_start3A_80 = tpu.memref_slice %arg4[%dma_start3A_78, %dma_start3A_79] : memref<10240x128xf32, #tpu.memory_space<hbm>> -> memref<10240x128xf32, #tpu.memory_space<hbm>>
        tpu.enqueue_indirect_dma source(%dma_start3A_80 : memref<10240x128xf32, #tpu.memory_space<hbm>>) target(%arg10 : memref<128x128xf32, #tpu.memory_space<vmem>>) offsets(%dma_start3A_77 : memref<128xi32, #tpu.memory_space<vmem>>) semaphore(%arg13 : memref<!tpu.dma_semaphore, #tpu.memory_space<semaphore_mem>>)
      } else {
      }
    }
    %scan3A_20 = arith.constant 20 : i32
    "tpu.region"() ({
      %run_scoped3A = tpu.sem_alloc : memref<!tpu.dma_semaphore, #tpu.memory_space<semaphore_mem>>
      %dma_start3A_42 = arith.constant 40 : i32
      %dma_start3A_43 = arith.constant 0 : i32
      %dma_start3A_44 = tpu.memref_slice %arg2[%add3A, %dma_start3A_42, %dma_start3A_43] : memref<32x80x128xi32, #tpu.memory_space<hbm>> -> memref<1x40x128xi32, #tpu.memory_space<hbm>>
      %dma_start3A_45 = tpu.memref_squeeze %dma_start3A_44 : memref<1x40x128xi32, #tpu.memory_space<hbm>> -> memref<40x128xi32, #tpu.memory_space<hbm>>
      %dma_start3A_46 = arith.constant 40 : i32
      %dma_start3A_47 = arith.constant 0 : i32
      %dma_start3A_48 = tpu.memref_slice %arg2[%add3A, %dma_start3A_46, %dma_start3A_47] : memref<32x80x128xi32, #tpu.memory_space<hbm>> -> memref<1x40x128xi32, #tpu.memory_space<hbm>>
      %dma_start3A_49 = tpu.memref_squeeze %dma_start3A_48 : memref<1x40x128xi32, #tpu.memory_space<hbm>> -> memref<40x128xi32, #tpu.memory_space<hbm>>
      tpu.enqueue_dma source(%dma_start3A_49 : memref<40x128xi32, #tpu.memory_space<hbm>>) target(%arg7 : memref<40x128xi32, #tpu.memory_space<vmem>>) target_semaphore(%run_scoped3A : memref<!tpu.dma_semaphore, #tpu.memory_space<semaphore_mem>>)
      %dma_wait3A = arith.constant 40 : i32
      %dma_wait3A_50 = arith.constant 0 : i32
      %dma_wait3A_51 = tpu.memref_slice %arg2[%add3A, %dma_wait3A, %dma_wait3A_50] : memref<32x80x128xi32, #tpu.memory_space<hbm>> -> memref<1x40x128xi32, #tpu.memory_space<hbm>>
      %dma_wait3A_52 = tpu.memref_squeeze %dma_wait3A_51 : memref<1x40x128xi32, #tpu.memory_space<hbm>> -> memref<40x128xi32, #tpu.memory_space<hbm>>
      %dma_wait3A_53 = arith.constant 40 : i32
      %dma_wait3A_54 = arith.constant 0 : i32
      %dma_wait3A_55 = tpu.memref_slice %arg2[%add3A, %dma_wait3A_53, %dma_wait3A_54] : memref<32x80x128xi32, #tpu.memory_space<hbm>> -> memref<1x40x128xi32, #tpu.memory_space<hbm>>
      %dma_wait3A_56 = tpu.memref_squeeze %dma_wait3A_55 : memref<1x40x128xi32, #tpu.memory_space<hbm>> -> memref<40x128xi32, #tpu.memory_space<hbm>>
      tpu.wait_dma2 semaphore(%run_scoped3A : memref<!tpu.dma_semaphore, #tpu.memory_space<semaphore_mem>>) src(%dma_wait3A_56 : memref<40x128xi32, #tpu.memory_space<hbm>>) dst(%arg7 : memref<40x128xi32, #tpu.memory_space<vmem>>)
      tpu.yield
    }) : () -> ()
    "tpu.region"() ({
      %run_scoped3A = tpu.sem_alloc : memref<!tpu.dma_semaphore, #tpu.memory_space<semaphore_mem>>
      %dma_start3A_42 = arith.constant 40 : i32
      %dma_start3A_43 = arith.constant 0 : i32
      %dma_start3A_44 = tpu.memref_slice %arg3[%add3A, %dma_start3A_42, %dma_start3A_43] : memref<32x80x128xi32, #tpu.memory_space<hbm>> -> memref<1x40x128xi32, #tpu.memory_space<hbm>>
      %dma_start3A_45 = tpu.memref_squeeze %dma_start3A_44 : memref<1x40x128xi32, #tpu.memory_space<hbm>> -> memref<40x128xi32, #tpu.memory_space<hbm>>
      %dma_start3A_46 = arith.constant 40 : i32
      %dma_start3A_47 = arith.constant 0 : i32
      %dma_start3A_48 = tpu.memref_slice %arg3[%add3A, %dma_start3A_46, %dma_start3A_47] : memref<32x80x128xi32, #tpu.memory_space<hbm>> -> memref<1x40x128xi32, #tpu.memory_space<hbm>>
      %dma_start3A_49 = tpu.memref_squeeze %dma_start3A_48 : memref<1x40x128xi32, #tpu.memory_space<hbm>> -> memref<40x128xi32, #tpu.memory_space<hbm>>
      tpu.enqueue_dma source(%dma_start3A_49 : memref<40x128xi32, #tpu.memory_space<hbm>>) target(%arg8 : memref<40x128xi32, #tpu.memory_space<vmem>>) target_semaphore(%run_scoped3A : memref<!tpu.dma_semaphore, #tpu.memory_space<semaphore_mem>>)
      %dma_wait3A = arith.constant 40 : i32
      %dma_wait3A_50 = arith.constant 0 : i32
      %dma_wait3A_51 = tpu.memref_slice %arg3[%add3A, %dma_wait3A, %dma_wait3A_50] : memref<32x80x128xi32, #tpu.memory_space<hbm>> -> memref<1x40x128xi32, #tpu.memory_space<hbm>>
      %dma_wait3A_52 = tpu.memref_squeeze %dma_wait3A_51 : memref<1x40x128xi32, #tpu.memory_space<hbm>> -> memref<40x128xi32, #tpu.memory_space<hbm>>
      %dma_wait3A_53 = arith.constant 40 : i32
      %dma_wait3A_54 = arith.constant 0 : i32
      %dma_wait3A_55 = tpu.memref_slice %arg3[%add3A, %dma_wait3A_53, %dma_wait3A_54] : memref<32x80x128xi32, #tpu.memory_space<hbm>> -> memref<1x40x128xi32, #tpu.memory_space<hbm>>
      %dma_wait3A_56 = tpu.memref_squeeze %dma_wait3A_55 : memref<1x40x128xi32, #tpu.memory_space<hbm>> -> memref<40x128xi32, #tpu.memory_space<hbm>>
      tpu.wait_dma2 semaphore(%run_scoped3A : memref<!tpu.dma_semaphore, #tpu.memory_space<semaphore_mem>>) src(%dma_wait3A_56 : memref<40x128xi32, #tpu.memory_space<hbm>>) dst(%arg8 : memref<40x128xi32, #tpu.memory_space<vmem>>)
      tpu.yield
    }) : () -> ()
    %dma_start3A_21 = arith.constant 0 : i32
    %dma_start3A_22 = arith.constant 0 : i32
    %dma_start3A_23 = tpu.memref_slice %arg7[%dma_start3A_21, %dma_start3A_22] : memref<40x128xi32, #tpu.memory_space<vmem>> -> memref<1x128xi32, #tpu.memory_space<vmem>>
    %dma_start3A_24 = tpu.memref_squeeze %dma_start3A_23 : memref<1x128xi32, #tpu.memory_space<vmem>> -> memref<128xi32, #tpu.memory_space<vmem>>
    %dma_start3A_25 = arith.constant 0 : i32
    %dma_start3A_26 = arith.constant 0 : i32
    %dma_start3A_27 = tpu.memref_slice %arg4[%dma_start3A_25, %dma_start3A_26] : memref<10240x128xf32, #tpu.memory_space<hbm>> -> memref<10240x128xf32, #tpu.memory_space<hbm>>
    tpu.enqueue_indirect_dma source(%dma_start3A_27 : memref<10240x128xf32, #tpu.memory_space<hbm>>) target(%arg9 : memref<128x128xf32, #tpu.memory_space<vmem>>) offsets(%dma_start3A_24 : memref<128xi32, #tpu.memory_space<vmem>>) semaphore(%arg12 : memref<!tpu.dma_semaphore, #tpu.memory_space<semaphore_mem>>)
    %dma_start3A_28 = arith.constant 1 : i32
    %dma_start3A_29 = arith.constant 0 : i32
    %dma_start3A_30 = tpu.memref_slice %arg7[%dma_start3A_28, %dma_start3A_29] : memref<40x128xi32, #tpu.memory_space<vmem>> -> memref<1x128xi32, #tpu.memory_space<vmem>>
    %dma_start3A_31 = tpu.memref_squeeze %dma_start3A_30 : memref<1x128xi32, #tpu.memory_space<vmem>> -> memref<128xi32, #tpu.memory_space<vmem>>
    %dma_start3A_32 = arith.constant 0 : i32
    %dma_start3A_33 = arith.constant 0 : i32
    %dma_start3A_34 = tpu.memref_slice %arg4[%dma_start3A_32, %dma_start3A_33] : memref<10240x128xf32, #tpu.memory_space<hbm>> -> memref<10240x128xf32, #tpu.memory_space<hbm>>
    tpu.enqueue_indirect_dma source(%dma_start3A_34 : memref<10240x128xf32, #tpu.memory_space<hbm>>) target(%arg10 : memref<128x128xf32, #tpu.memory_space<vmem>>) offsets(%dma_start3A_31 : memref<128xi32, #tpu.memory_space<vmem>>) semaphore(%arg13 : memref<!tpu.dma_semaphore, #tpu.memory_space<semaphore_mem>>)
    %scan3A_35 = arith.constant 0 : i32
    %scan3A_36 = arith.constant 0 : i32
    %scan3A_37 = arith.constant 20 : i32
    %scan3A_38 = arith.addi %scan3A_36, %scan3A_37 : i32
    %scan3A_39 = arith.constant 1 : i32
    scf.for %scan3A_42 = %scan3A_36 to %scan3A_38 step %scan3A_39  : i32 {
      %mul3A_43 = arith.constant 2 : i32
      %mul3A_44 = arith.muli %mul3A_43, %scan3A_42 : i32
      %add3A_45 = arith.constant 0 : i32
      %add3A_46 = arith.addi %mul3A_44, %add3A_45 : i32
      %dma_wait3A = arith.constant 0 : i32
      %dma_wait3A_47 = tpu.memref_slice %arg7[%add3A_46, %dma_wait3A] : memref<40x128xi32, #tpu.memory_space<vmem>> -> memref<1x128xi32, #tpu.memory_space<vmem>>
      %dma_wait3A_48 = tpu.memref_squeeze %dma_wait3A_47 : memref<1x128xi32, #tpu.memory_space<vmem>> -> memref<128xi32, #tpu.memory_space<vmem>>
      %dma_wait3A_49 = arith.constant 0 : i32
      %dma_wait3A_50 = arith.constant 0 : i32
      %dma_wait3A_51 = tpu.memref_slice %arg4[%dma_wait3A_49, %dma_wait3A_50] : memref<10240x128xf32, #tpu.memory_space<hbm>> -> memref<10240x128xf32, #tpu.memory_space<hbm>>
      tpu.wait_indirect_dma semaphore(%arg12 : memref<!tpu.dma_semaphore, #tpu.memory_space<semaphore_mem>>) src(%dma_wait3A_51 : memref<10240x128xf32, #tpu.memory_space<hbm>>) dst(%arg9 : memref<128x128xf32, #tpu.memory_space<vmem>>)
      "tpu.region"() ({
        %run_scoped3A = tpu.sem_alloc : memref<!tpu.dma_semaphore, #tpu.memory_space<semaphore_mem>>
        %dma_start3A_73 = arith.constant 0 : i32
        %dma_start3A_74 = tpu.memref_slice %arg8[%add3A_46, %dma_start3A_73] : memref<40x128xi32, #tpu.memory_space<vmem>> -> memref<1x128xi32, #tpu.memory_space<vmem>>
        %dma_start3A_75 = tpu.memref_squeeze %dma_start3A_74 : memref<1x128xi32, #tpu.memory_space<vmem>> -> memref<128xi32, #tpu.memory_space<vmem>>
        %dma_start3A_76 = arith.constant 0 : i32
        %dma_start3A_77 = arith.constant 0 : i32
        %dma_start3A_78 = tpu.memref_slice %arg11[%dma_start3A_76, %dma_start3A_77] : memref<10240x128xf32, #tpu.memory_space<vmem_shared>> -> memref<10240x128xf32, #tpu.memory_space<vmem_shared>>
        tpu.enqueue_indirect_dma source(%arg9 : memref<128x128xf32, #tpu.memory_space<vmem>>) target(%dma_start3A_78 : memref<10240x128xf32, #tpu.memory_space<vmem_shared>>) offsets(%dma_start3A_75 : memref<128xi32, #tpu.memory_space<vmem>>) semaphore(%run_scoped3A : memref<!tpu.dma_semaphore, #tpu.memory_space<semaphore_mem>>) {add = true}
        %dma_wait3A_79 = arith.constant 0 : i32
        %dma_wait3A_80 = tpu.memref_slice %arg8[%add3A_46, %dma_wait3A_79] : memref<40x128xi32, #tpu.memory_space<vmem>> -> memref<1x128xi32, #tpu.memory_space<vmem>>
        %dma_wait3A_81 = tpu.memref_squeeze %dma_wait3A_80 : memref<1x128xi32, #tpu.memory_space<vmem>> -> memref<128xi32, #tpu.memory_space<vmem>>
        %dma_wait3A_82 = arith.constant 0 : i32
        %dma_wait3A_83 = arith.constant 0 : i32
        %dma_wait3A_84 = tpu.memref_slice %arg11[%dma_wait3A_82, %dma_wait3A_83] : memref<10240x128xf32, #tpu.memory_space<vmem_shared>> -> memref<10240x128xf32, #tpu.memory_space<vmem_shared>>
        tpu.wait_indirect_dma semaphore(%run_scoped3A : memref<!tpu.dma_semaphore, #tpu.memory_space<semaphore_mem>>) src(%arg9 : memref<128x128xf32, #tpu.memory_space<vmem>>) dst(%dma_wait3A_84 : memref<10240x128xf32, #tpu.memory_space<vmem_shared>>)
        tpu.yield
      }) : () -> ()
      %add3A_52 = arith.constant 2 : i32
      %add3A_53 = arith.addi %add3A_46, %add3A_52 : i32
      %lt3A = arith.constant 40 : i32
      %lt3A_54 = arith.cmpi slt, %add3A_53, %lt3A : i32
      %convert_element_type3A = arith.extui %lt3A_54 : i1 to i32
      %cond3A = arith.constant 0 : i32
      %cond3A_55 = arith.cmpi ne, %convert_element_type3A, %cond3A : i32
      scf.if %cond3A_55 {
        %add3A_73 = arith.constant 2 : i32
        %add3A_74 = arith.addi %add3A_46, %add3A_73 : i32
        %dma_start3A_75 = arith.constant 0 : i32
        %dma_start3A_76 = tpu.memref_slice %arg7[%add3A_74, %dma_start3A_75] : memref<40x128xi32, #tpu.memory_space<vmem>> -> memref<1x128xi32, #tpu.memory_space<vmem>>
        %dma_start3A_77 = tpu.memref_squeeze %dma_start3A_76 : memref<1x128xi32, #tpu.memory_space<vmem>> -> memref<128xi32, #tpu.memory_space<vmem>>
        %dma_start3A_78 = arith.constant 0 : i32
        %dma_start3A_79 = arith.constant 0 : i32
        %dma_start3A_80 = tpu.memref_slice %arg4[%dma_start3A_78, %dma_start3A_79] : memref<10240x128xf32, #tpu.memory_space<hbm>> -> memref<10240x128xf32, #tpu.memory_space<hbm>>
        tpu.enqueue_indirect_dma source(%dma_start3A_80 : memref<10240x128xf32, #tpu.memory_space<hbm>>) target(%arg9 : memref<128x128xf32, #tpu.memory_space<vmem>>) offsets(%dma_start3A_77 : memref<128xi32, #tpu.memory_space<vmem>>) semaphore(%arg12 : memref<!tpu.dma_semaphore, #tpu.memory_space<semaphore_mem>>)
      } else {
      }
      %mul3A_56 = arith.constant 2 : i32
      %mul3A_57 = arith.muli %mul3A_56, %scan3A_42 : i32
      %add3A_58 = arith.constant 1 : i32
      %add3A_59 = arith.addi %mul3A_57, %add3A_58 : i32
      %dma_wait3A_60 = arith.constant 0 : i32
      %dma_wait3A_61 = tpu.memref_slice %arg7[%add3A_59, %dma_wait3A_60] : memref<40x128xi32, #tpu.memory_space<vmem>> -> memref<1x128xi32, #tpu.memory_space<vmem>>
      %dma_wait3A_62 = tpu.memref_squeeze %dma_wait3A_61 : memref<1x128xi32, #tpu.memory_space<vmem>> -> memref<128xi32, #tpu.memory_space<vmem>>
      %dma_wait3A_63 = arith.constant 0 : i32
      %dma_wait3A_64 = arith.constant 0 : i32
      %dma_wait3A_65 = tpu.memref_slice %arg4[%dma_wait3A_63, %dma_wait3A_64] : memref<10240x128xf32, #tpu.memory_space<hbm>> -> memref<10240x128xf32, #tpu.memory_space<hbm>>
      tpu.wait_indirect_dma semaphore(%arg13 : memref<!tpu.dma_semaphore, #tpu.memory_space<semaphore_mem>>) src(%dma_wait3A_65 : memref<10240x128xf32, #tpu.memory_space<hbm>>) dst(%arg10 : memref<128x128xf32, #tpu.memory_space<vmem>>)
      "tpu.region"() ({
        %run_scoped3A = tpu.sem_alloc : memref<!tpu.dma_semaphore, #tpu.memory_space<semaphore_mem>>
        %dma_start3A_73 = arith.constant 0 : i32
        %dma_start3A_74 = tpu.memref_slice %arg8[%add3A_59, %dma_start3A_73] : memref<40x128xi32, #tpu.memory_space<vmem>> -> memref<1x128xi32, #tpu.memory_space<vmem>>
        %dma_start3A_75 = tpu.memref_squeeze %dma_start3A_74 : memref<1x128xi32, #tpu.memory_space<vmem>> -> memref<128xi32, #tpu.memory_space<vmem>>
        %dma_start3A_76 = arith.constant 0 : i32
        %dma_start3A_77 = arith.constant 0 : i32
        %dma_start3A_78 = tpu.memref_slice %arg11[%dma_start3A_76, %dma_start3A_77] : memref<10240x128xf32, #tpu.memory_space<vmem_shared>> -> memref<10240x128xf32, #tpu.memory_space<vmem_shared>>
        tpu.enqueue_indirect_dma source(%arg10 : memref<128x128xf32, #tpu.memory_space<vmem>>) target(%dma_start3A_78 : memref<10240x128xf32, #tpu.memory_space<vmem_shared>>) offsets(%dma_start3A_75 : memref<128xi32, #tpu.memory_space<vmem>>) semaphore(%run_scoped3A : memref<!tpu.dma_semaphore, #tpu.memory_space<semaphore_mem>>) {add = true}
        %dma_wait3A_79 = arith.constant 0 : i32
        %dma_wait3A_80 = tpu.memref_slice %arg8[%add3A_59, %dma_wait3A_79] : memref<40x128xi32, #tpu.memory_space<vmem>> -> memref<1x128xi32, #tpu.memory_space<vmem>>
        %dma_wait3A_81 = tpu.memref_squeeze %dma_wait3A_80 : memref<1x128xi32, #tpu.memory_space<vmem>> -> memref<128xi32, #tpu.memory_space<vmem>>
        %dma_wait3A_82 = arith.constant 0 : i32
        %dma_wait3A_83 = arith.constant 0 : i32
        %dma_wait3A_84 = tpu.memref_slice %arg11[%dma_wait3A_82, %dma_wait3A_83] : memref<10240x128xf32, #tpu.memory_space<vmem_shared>> -> memref<10240x128xf32, #tpu.memory_space<vmem_shared>>
        tpu.wait_indirect_dma semaphore(%run_scoped3A : memref<!tpu.dma_semaphore, #tpu.memory_space<semaphore_mem>>) src(%arg10 : memref<128x128xf32, #tpu.memory_space<vmem>>) dst(%dma_wait3A_84 : memref<10240x128xf32, #tpu.memory_space<vmem_shared>>)
        tpu.yield
      }) : () -> ()
      %add3A_66 = arith.constant 2 : i32
      %add3A_67 = arith.addi %add3A_59, %add3A_66 : i32
      %lt3A_68 = arith.constant 40 : i32
      %lt3A_69 = arith.cmpi slt, %add3A_67, %lt3A_68 : i32
      %convert_element_type3A_70 = arith.extui %lt3A_69 : i1 to i32
      %cond3A_71 = arith.constant 0 : i32
      %cond3A_72 = arith.cmpi ne, %convert_element_type3A_70, %cond3A_71 : i32
      scf.if %cond3A_72 {
        %add3A_73 = arith.constant 2 : i32
        %add3A_74 = arith.addi %add3A_59, %add3A_73 : i32
        %dma_start3A_75 = arith.constant 0 : i32
        %dma_start3A_76 = tpu.memref_slice %arg7[%add3A_74, %dma_start3A_75] : memref<40x128xi32, #tpu.memory_space<vmem>> -> memref<1x128xi32, #tpu.memory_space<vmem>>
        %dma_start3A_77 = tpu.memref_squeeze %dma_start3A_76 : memref<1x128xi32, #tpu.memory_space<vmem>> -> memref<128xi32, #tpu.memory_space<vmem>>
        %dma_start3A_78 = arith.constant 0 : i32
        %dma_start3A_79 = arith.constant 0 : i32
        %dma_start3A_80 = tpu.memref_slice %arg4[%dma_start3A_78, %dma_start3A_79] : memref<10240x128xf32, #tpu.memory_space<hbm>> -> memref<10240x128xf32, #tpu.memory_space<hbm>>
        tpu.enqueue_indirect_dma source(%dma_start3A_80 : memref<10240x128xf32, #tpu.memory_space<hbm>>) target(%arg10 : memref<128x128xf32, #tpu.memory_space<vmem>>) offsets(%dma_start3A_77 : memref<128xi32, #tpu.memory_space<vmem>>) semaphore(%arg13 : memref<!tpu.dma_semaphore, #tpu.memory_space<semaphore_mem>>)
      } else {
      }
    }
    %scan3A_40 = arith.constant 20 : i32
    %barrier3A_41 = arith.constant 0 : index
    tpu.barrier barrier_id(%barrier3A_41)
    "tpu.region"() ({
      %run_scoped3A = tpu.sem_alloc : memref<!tpu.dma_semaphore, #tpu.memory_space<semaphore_mem>>
      %dma_start3A_42 = arith.constant 0 : i32
      %dma_start3A_43 = tpu.memref_slice %arg6[%arg0, %mul3A_2, %dma_start3A_42] : memref<2x10240x128xf32, #tpu.memory_space<hbm>> -> memref<1x640x128xf32, #tpu.memory_space<hbm>>
      %dma_start3A_44 = tpu.memref_squeeze %dma_start3A_43 : memref<1x640x128xf32, #tpu.memory_space<hbm>> -> memref<640x128xf32, #tpu.memory_space<hbm>>
      %dma_start3A_45 = arith.constant 0 : i32
      %dma_start3A_46 = tpu.memref_slice %arg11[%mul3A_2, %dma_start3A_45] : memref<10240x128xf32, #tpu.memory_space<vmem_shared>> -> memref<640x128xf32, #tpu.memory_space<vmem_shared>>
      tpu.enqueue_dma source(%dma_start3A_46 : memref<640x128xf32, #tpu.memory_space<vmem_shared>>) target(%dma_start3A_44 : memref<640x128xf32, #tpu.memory_space<hbm>>) target_semaphore(%run_scoped3A : memref<!tpu.dma_semaphore, #tpu.memory_space<semaphore_mem>>)
      %dma_wait3A = arith.constant 0 : i32
      %dma_wait3A_47 = tpu.memref_slice %arg6[%arg0, %mul3A_2, %dma_wait3A] : memref<2x10240x128xf32, #tpu.memory_space<hbm>> -> memref<1x640x128xf32, #tpu.memory_space<hbm>>
      %dma_wait3A_48 = tpu.memref_squeeze %dma_wait3A_47 : memref<1x640x128xf32, #tpu.memory_space<hbm>> -> memref<640x128xf32, #tpu.memory_space<hbm>>
      %dma_wait3A_49 = arith.constant 0 : i32
      %dma_wait3A_50 = tpu.memref_slice %arg11[%mul3A_2, %dma_wait3A_49] : memref<10240x128xf32, #tpu.memory_space<vmem_shared>> -> memref<640x128xf32, #tpu.memory_space<vmem_shared>>
      tpu.wait_dma2 semaphore(%run_scoped3A : memref<!tpu.dma_semaphore, #tpu.memory_space<semaphore_mem>>) src(%dma_wait3A_50 : memref<640x128xf32, #tpu.memory_space<vmem_shared>>) dst(%dma_wait3A_48 : memref<640x128xf32, #tpu.memory_space<hbm>>)
      tpu.yield
    }) : () -> ()
    return
  }
}

module attributes {stable_mosaic.version = 14 : i64} {
  func.func @_tc1_body(%arg0: i32, %arg1: memref<2x512x128xf32, #tpu.memory_space<vmem>>, %arg2: memref<512x128xf32, #tpu.memory_space<vmem>>, %arg3: memref<8x128xf32, #tpu.memory_space<vmem>>, %arg4: memref<512x128xf32, #tpu.memory_space<vmem>>, %arg5: memref<512x16xf32, #tpu.memory_space<vmem>>) attributes {dimension_semantics = [#tpu.dimension_semantics<arbitrary>], iteration_bounds = array<i64: 20>, scalar_prefetch = 0 : i64, scratch_operands = 0 : i64, tpu.core_type = #tpu.core_type<tc>, window_params = [{transform_indices = @transform_0, window_bounds = array<i64: 2, 512, 128>}, {transform_indices = @transform_1, window_bounds = array<i64: 512, 128>}, {pipeline_mode = #tpu.pipeline_mode<synchronous>, transform_indices = @transform_2, window_bounds = array<i64: 8, 128>}, {transform_indices = @transform_3, window_bounds = array<i64: 512, 128>}, {transform_indices = @transform_4, window_bounds = array<i64: 512, 16>}]} {
    %get3A = arith.constant 0 : index
    %get3A_0 = arith.constant 0 : index
    %get3A_1 = arith.constant 0 : index
    %get3A_2 = vector.load %arg1[%get3A, %get3A_0, %get3A_1] : memref<2x512x128xf32, #tpu.memory_space<vmem>>, vector<1x512x1xf32>
    %get3A_3 = vector.shape_cast %get3A_2 : vector<1x512x1xf32> to vector<512x1xf32>
    %get3A_4 = arith.constant 1 : index
    %get3A_5 = arith.constant 0 : index
    %get3A_6 = arith.constant 0 : index
    %get3A_7 = vector.load %arg1[%get3A_4, %get3A_5, %get3A_6] : memref<2x512x128xf32, #tpu.memory_space<vmem>>, vector<1x512x1xf32>
    %get3A_8 = vector.shape_cast %get3A_7 : vector<1x512x1xf32> to vector<512x1xf32>
    %add3A = arith.addf %get3A_3, %get3A_8 : vector<512x1xf32>
    %gt3A = arith.constant 0.000000e+00 : f32
    %gt3A_9 = vector.broadcast %gt3A : f32 to vector<512x1xf32>
    %gt3A_10 = arith.cmpf ogt, %add3A, %gt3A_9 : vector<512x1xf32>
    %rsqrt3A = math.rsqrt %add3A : vector<512x1xf32>
    %jit3A = arith.constant 0.000000e+00 : f32
    %broadcast_in_dim3A = vector.broadcast %jit3A : f32 to vector<512x1xf32>
    %select_n3A = arith.select %gt3A_10, %rsqrt3A, %broadcast_in_dim3A : vector<512x1xi1>, vector<512x1xf32>
    %get3A_11 = arith.constant 0 : index
    %get3A_12 = arith.constant 0 : index
    %get3A_13 = vector.load %arg2[%get3A_11, %get3A_12] : memref<512x128xf32, #tpu.memory_space<vmem>>, vector<512x128xf32>
    %get3A_14 = arith.constant 0 : index
    %get3A_15 = arith.constant 0 : index
    %get3A_16 = vector.load %arg3[%get3A_14, %get3A_15] : memref<8x128xf32, #tpu.memory_space<vmem>>, vector<1x1xf32>
    %get3A_17 = vector.extract %get3A_16[0, 0] : f32 from vector<1x1xf32>
    %mul3A = vector.broadcast %get3A_17 : f32 to vector<512x1xf32>
    %mul3A_18 = arith.mulf %select_n3A, %mul3A : vector<512x1xf32>
    %mul3A_19 = vector.broadcast %mul3A_18 : vector<512x1xf32> to vector<512x128xf32>
    %mul3A_20 = arith.mulf %get3A_13, %mul3A_19 : vector<512x128xf32>
    %swap3A = arith.constant 0 : index
    %swap3A_21 = arith.constant 0 : index
    %swap3A_22 = vector.load %arg4[%swap3A, %swap3A_21] : memref<512x128xf32, #tpu.memory_space<vmem>>, vector<512x128xf32>
    tpu.vector_store %arg4[%swap3A, %swap3A_21], %mul3A_20 {strides = array<i32>} : memref<512x128xf32, #tpu.memory_space<vmem>>, vector<512x128xf32>,
    %broadcast_in_dim3A_23 = vector.shape_cast %select_n3A : vector<512x1xf32> to vector<512x1xf32>
    %broadcast_in_dim3A_24 = vector.broadcast %broadcast_in_dim3A_23 : vector<512x1xf32> to vector<512x16xf32>
    %swap3A_25 = arith.constant 0 : index
    %swap3A_26 = arith.constant 0 : index
    %swap3A_27 = vector.load %arg5[%swap3A_25, %swap3A_26] : memref<512x16xf32, #tpu.memory_space<vmem>>, vector<512x16xf32>
    tpu.vector_store %arg5[%swap3A_25, %swap3A_26], %broadcast_in_dim3A_24 {strides = array<i32>} : memref<512x16xf32, #tpu.memory_space<vmem>>, vector<512x16xf32>,
    return
  }
  func.func @transform_0(%arg0: i32) -> (i32, i32, i32) {
    %c0_i32 = arith.constant 0 : i32
    %c0_i32_0 = arith.constant 0 : i32
    %c0_i32_1 = arith.constant 0 : i32
    return %c0_i32, %arg0, %c0_i32_0 : i32, i32, i32
  }
  func.func @transform_1(%arg0: i32) -> (i32, i32) {
    %c0_i32 = arith.constant 0 : i32
    %c0_i32_0 = arith.constant 0 : i32
    return %arg0, %c0_i32 : i32, i32
  }
  func.func @transform_2(%arg0: i32) -> (i32, i32) {
    %c0_i32 = arith.constant 0 : i32
    %c0_i32_0 = arith.constant 0 : i32
    %c0_i32_1 = arith.constant 0 : i32
    return %c0_i32, %c0_i32_0 : i32, i32
  }
  func.func @transform_3(%arg0: i32) -> (i32, i32) {
    %c0_i32 = arith.constant 0 : i32
    %c0_i32_0 = arith.constant 0 : i32
    return %arg0, %c0_i32 : i32, i32
  }
  func.func @transform_4(%arg0: i32) -> (i32, i32) {
    %c0_i32 = arith.constant 0 : i32
    %c0_i32_0 = arith.constant 0 : i32
    return %arg0, %c0_i32 : i32, i32
  }
}

module attributes {stable_mosaic.version = 14 : i64} {
  func.func @_tc2_body(%arg0: i32, %arg1: memref<512x16xf32, #tpu.memory_space<vmem>>, %arg2: memref<2x512x128xf32, #tpu.memory_space<vmem>>, %arg3: memref<512x128xf32, #tpu.memory_space<vmem>>, %arg4: memref<8x128xf32, #tpu.memory_space<vmem>>, %arg5: memref<512x128xf32, #tpu.memory_space<vmem>>, %arg6: memref<512x128xf32, #tpu.memory_space<vmem>>) attributes {dimension_semantics = [#tpu.dimension_semantics<arbitrary>], iteration_bounds = array<i64: 20>, scalar_prefetch = 0 : i64, scratch_operands = 0 : i64, tpu.core_type = #tpu.core_type<tc>, window_params = [{transform_indices = @transform_0, window_bounds = array<i64: 512, 16>}, {transform_indices = @transform_1, window_bounds = array<i64: 2, 512, 128>}, {transform_indices = @transform_2, window_bounds = array<i64: 512, 128>}, {pipeline_mode = #tpu.pipeline_mode<synchronous>, transform_indices = @transform_3, window_bounds = array<i64: 8, 128>}, {transform_indices = @transform_4, window_bounds = array<i64: 512, 128>}, {transform_indices = @transform_5, window_bounds = array<i64: 512, 128>}]} {
    %get3A = arith.constant 0 : index
    %get3A_0 = arith.constant 0 : index
    %get3A_1 = vector.load %arg1[%get3A, %get3A_0] : memref<512x16xf32, #tpu.memory_space<vmem>>, vector<512x1xf32>
    %get3A_2 = arith.constant 0 : index
    %get3A_3 = arith.constant 0 : index
    %get3A_4 = arith.constant 0 : index
    %get3A_5 = vector.load %arg2[%get3A_2, %get3A_3, %get3A_4] : memref<2x512x128xf32, #tpu.memory_space<vmem>>, vector<1x512x128xf32>
    %get3A_6 = vector.shape_cast %get3A_5 : vector<1x512x128xf32> to vector<512x128xf32>
    %get3A_7 = arith.constant 1 : index
    %get3A_8 = arith.constant 0 : index
    %get3A_9 = arith.constant 0 : index
    %get3A_10 = vector.load %arg2[%get3A_7, %get3A_8, %get3A_9] : memref<2x512x128xf32, #tpu.memory_space<vmem>>, vector<1x512x128xf32>
    %get3A_11 = vector.shape_cast %get3A_10 : vector<1x512x128xf32> to vector<512x128xf32>
    %add3A = arith.addf %get3A_6, %get3A_11 : vector<512x128xf32>
    %mul3A = vector.broadcast %get3A_1 : vector<512x1xf32> to vector<512x128xf32>
    %mul3A_12 = arith.mulf %add3A, %mul3A : vector<512x128xf32>
    %swap3A = arith.constant 0 : index
    %swap3A_13 = arith.constant 0 : index
    %swap3A_14 = vector.load %arg5[%swap3A, %swap3A_13] : memref<512x128xf32, #tpu.memory_space<vmem>>, vector<512x128xf32>
    tpu.vector_store %arg5[%swap3A, %swap3A_13], %mul3A_12 {strides = array<i32>} : memref<512x128xf32, #tpu.memory_space<vmem>>, vector<512x128xf32>,
    %get3A_15 = arith.constant 0 : index
    %get3A_16 = arith.constant 0 : index
    %get3A_17 = vector.load %arg3[%get3A_15, %get3A_16] : memref<512x128xf32, #tpu.memory_space<vmem>>, vector<512x128xf32>
    %sub3A = arith.subf %mul3A_12, %get3A_17 : vector<512x128xf32>
    %get3A_18 = arith.constant 0 : index
    %get3A_19 = arith.constant 0 : index
    %get3A_20 = vector.load %arg4[%get3A_18, %get3A_19] : memref<8x128xf32, #tpu.memory_space<vmem>>, vector<1x1xf32>
    %get3A_21 = vector.extract %get3A_20[0, 0] : f32 from vector<1x1xf32>
    %mul3A_22 = vector.broadcast %get3A_21 : f32 to vector<512x1xf32>
    %mul3A_23 = arith.mulf %get3A_1, %mul3A_22 : vector<512x1xf32>
    %mul3A_24 = vector.broadcast %mul3A_23 : vector<512x1xf32> to vector<512x128xf32>
    %mul3A_25 = arith.mulf %sub3A, %mul3A_24 : vector<512x128xf32>
    %swap3A_26 = arith.constant 0 : index
    %swap3A_27 = arith.constant 0 : index
    %swap3A_28 = vector.load %arg6[%swap3A_26, %swap3A_27] : memref<512x128xf32, #tpu.memory_space<vmem>>, vector<512x128xf32>
    tpu.vector_store %arg6[%swap3A_26, %swap3A_27], %mul3A_25 {strides = array<i32>} : memref<512x128xf32, #tpu.memory_space<vmem>>, vector<512x128xf32>,
    return
  }
  func.func @transform_0(%arg0: i32) -> (i32, i32) {
    %c0_i32 = arith.constant 0 : i32
    %c0_i32_0 = arith.constant 0 : i32
    return %arg0, %c0_i32 : i32, i32
  }
  func.func @transform_1(%arg0: i32) -> (i32, i32, i32) {
    %c0_i32 = arith.constant 0 : i32
    %c0_i32_0 = arith.constant 0 : i32
    %c0_i32_1 = arith.constant 0 : i32
    return %c0_i32, %arg0, %c0_i32_0 : i32, i32, i32
  }
  func.func @transform_2(%arg0: i32) -> (i32, i32) {
    %c0_i32 = arith.constant 0 : i32
    %c0_i32_0 = arith.constant 0 : i32
    return %arg0, %c0_i32 : i32, i32
  }
  func.func @transform_3(%arg0: i32) -> (i32, i32) {
    %c0_i32 = arith.constant 0 : i32
    %c0_i32_0 = arith.constant 0 : i32
    %c0_i32_1 = arith.constant 0 : i32
    return %c0_i32, %c0_i32_0 : i32, i32
  }
  func.func @transform_4(%arg0: i32) -> (i32, i32) {
    %c0_i32 = arith.constant 0 : i32
    %c0_i32_0 = arith.constant 0 : i32
    return %arg0, %c0_i32 : i32, i32
  }
  func.func @transform_5(%arg0: i32) -> (i32, i32) {
    %c0_i32 = arith.constant 0 : i32
    %c0_i32_0 = arith.constant 0 : i32
    return %arg0, %c0_i32 : i32, i32
  }
}

module attributes {stable_mosaic.version = 14 : i64} {
  func.func @_tc3_body(%arg0: i32, %arg1: memref<512x16xf32, #tpu.memory_space<vmem>>, %arg2: memref<512x128xf32, #tpu.memory_space<vmem>>, %arg3: memref<512x128xf32, #tpu.memory_space<vmem>>, %arg4: memref<2x512x128xf32, #tpu.memory_space<vmem>>, %arg5: memref<128x128xf32, #tpu.memory_space<vmem>>, %arg6: memref<128x128xf32, #tpu.memory_space<vmem>>, %arg7: memref<128x128xf32, #tpu.memory_space<vmem>>, %arg8: memref<8x128xf32, #tpu.memory_space<vmem>>, %arg9: memref<512x128xf32, #tpu.memory_space<vmem>>) attributes {dimension_semantics = [#tpu.dimension_semantics<arbitrary>], iteration_bounds = array<i64: 20>, scalar_prefetch = 0 : i64, scratch_operands = 0 : i64, tpu.core_type = #tpu.core_type<tc>, window_params = [{transform_indices = @transform_0, window_bounds = array<i64: 512, 16>}, {transform_indices = @transform_1, window_bounds = array<i64: 512, 128>}, {transform_indices = @transform_2, window_bounds = array<i64: 512, 128>}, {transform_indices = @transform_3, window_bounds = array<i64: 2, 512, 128>}, {pipeline_mode = #tpu.pipeline_mode<synchronous>, transform_indices = @transform_4, window_bounds = array<i64: 128, 128>}, {pipeline_mode = #tpu.pipeline_mode<synchronous>, transform_indices = @transform_5, window_bounds = array<i64: 128, 128>}, {pipeline_mode = #tpu.pipeline_mode<synchronous>, transform_indices = @transform_6, window_bounds = array<i64: 128, 128>}, {pipeline_mode = #tpu.pipeline_mode<synchronous>, transform_indices = @transform_7, window_bounds = array<i64: 8, 128>}, {transform_indices = @transform_8, window_bounds = array<i64: 512, 128>}]} {
    %get3A = arith.constant 0 : index
    %get3A_0 = arith.constant 0 : index
    %get3A_1 = vector.load %arg1[%get3A, %get3A_0] : memref<512x16xf32, #tpu.memory_space<vmem>>, vector<512x1xf32>
    %get3A_2 = arith.constant 0 : index
    %get3A_3 = arith.constant 0 : index
    %get3A_4 = arith.constant 0 : index
    %get3A_5 = vector.load %arg4[%get3A_2, %get3A_3, %get3A_4] : memref<2x512x128xf32, #tpu.memory_space<vmem>>, vector<1x512x128xf32>
    %get3A_6 = vector.shape_cast %get3A_5 : vector<1x512x128xf32> to vector<512x128xf32>
    %get3A_7 = arith.constant 1 : index
    %get3A_8 = arith.constant 0 : index
    %get3A_9 = arith.constant 0 : index
    %get3A_10 = vector.load %arg4[%get3A_7, %get3A_8, %get3A_9] : memref<2x512x128xf32, #tpu.memory_space<vmem>>, vector<1x512x128xf32>
    %get3A_11 = vector.shape_cast %get3A_10 : vector<1x512x128xf32> to vector<512x128xf32>
    %add3A = arith.addf %get3A_6, %get3A_11 : vector<512x128xf32>
    %mul3A = vector.broadcast %get3A_1 : vector<512x1xf32> to vector<512x128xf32>
    %mul3A_12 = arith.mulf %add3A, %mul3A : vector<512x128xf32>
    %get3A_13 = arith.constant 0 : index
    %get3A_14 = arith.constant 0 : index
    %get3A_15 = vector.load %arg2[%get3A_13, %get3A_14] : memref<512x128xf32, #tpu.memory_space<vmem>>, vector<512x128xf32>
    %get3A_16 = arith.constant 0 : index
    %get3A_17 = arith.constant 0 : index
    %get3A_18 = vector.load %arg5[%get3A_16, %get3A_17] : memref<128x128xf32, #tpu.memory_space<vmem>>, vector<128x128xf32>
    %dot_general3A = arith.constant dense<0.000000e+00> : vector<512x128xf32>
    %dot_general3A_19 = tpu.matmul %get3A_15, %get3A_18, %dot_general3A {dimension_numbers = #tpu.dot_dimension_numbers<[1], [0], [0], [1], [0, 0, 1, 1], [], []>, transpose_lhs_hint = false} : vector<512x128xf32>, vector<128x128xf32>, vector<512x128xf32> -> vector<512x128xf32>
    %get3A_20 = arith.constant 0 : index
    %get3A_21 = arith.constant 0 : index
    %get3A_22 = vector.load %arg3[%get3A_20, %get3A_21] : memref<512x128xf32, #tpu.memory_space<vmem>>, vector<512x128xf32>
    %get3A_23 = arith.constant 0 : index
    %get3A_24 = arith.constant 0 : index
    %get3A_25 = vector.load %arg6[%get3A_23, %get3A_24] : memref<128x128xf32, #tpu.memory_space<vmem>>, vector<128x128xf32>
    %dot_general3A_26 = arith.constant dense<0.000000e+00> : vector<512x128xf32>
    %dot_general3A_27 = tpu.matmul %get3A_22, %get3A_25, %dot_general3A_26 {dimension_numbers = #tpu.dot_dimension_numbers<[1], [0], [0], [1], [0, 0, 1, 1], [], []>, transpose_lhs_hint = false} : vector<512x128xf32>, vector<128x128xf32>, vector<512x128xf32> -> vector<512x128xf32>
    %add3A_28 = arith.addf %dot_general3A_19, %dot_general3A_27 : vector<512x128xf32>
    %get3A_29 = arith.constant 0 : index
    %get3A_30 = arith.constant 0 : index
    %get3A_31 = vector.load %arg7[%get3A_29, %get3A_30] : memref<128x128xf32, #tpu.memory_space<vmem>>, vector<128x128xf32>
    %dot_general3A_32 = arith.constant dense<0.000000e+00> : vector<512x128xf32>
    %dot_general3A_33 = tpu.matmul %mul3A_12, %get3A_31, %dot_general3A_32 {dimension_numbers = #tpu.dot_dimension_numbers<[1], [0], [0], [1], [0, 0, 1, 1], [], []>, transpose_lhs_hint = false} : vector<512x128xf32>, vector<128x128xf32>, vector<512x128xf32> -> vector<512x128xf32>
    %add3A_34 = arith.addf %add3A_28, %dot_general3A_33 : vector<512x128xf32>
    %get3A_35 = arith.constant 0 : index
    %get3A_36 = arith.constant 0 : index
    %get3A_37 = vector.load %arg8[%get3A_35, %get3A_36] : memref<8x128xf32, #tpu.memory_space<vmem>>, vector<1x128xf32>
    %add3A_38 = vector.broadcast %get3A_37 : vector<1x128xf32> to vector<512x128xf32>
    %add3A_39 = arith.addf %add3A_34, %add3A_38 : vector<512x128xf32>
    %swap3A = arith.constant 0 : index
    %swap3A_40 = arith.constant 0 : index
    %swap3A_41 = vector.load %arg9[%swap3A, %swap3A_40] : memref<512x128xf32, #tpu.memory_space<vmem>>, vector<512x128xf32>
    tpu.vector_store %arg9[%swap3A, %swap3A_40], %add3A_39 {strides = array<i32>} : memref<512x128xf32, #tpu.memory_space<vmem>>, vector<512x128xf32>,
    return
  }
  func.func @transform_0(%arg0: i32) -> (i32, i32) {
    %c0_i32 = arith.constant 0 : i32
    %c0_i32_0 = arith.constant 0 : i32
    return %arg0, %c0_i32 : i32, i32
  }
  func.func @transform_1(%arg0: i32) -> (i32, i32) {
    %c0_i32 = arith.constant 0 : i32
    %c0_i32_0 = arith.constant 0 : i32
    return %arg0, %c0_i32 : i32, i32
  }
  func.func @transform_2(%arg0: i32) -> (i32, i32) {
    %c0_i32 = arith.constant 0 : i32
    %c0_i32_0 = arith.constant 0 : i32
    return %arg0, %c0_i32 : i32, i32
  }
  func.func @transform_3(%arg0: i32) -> (i32, i32, i32) {
    %c0_i32 = arith.constant 0 : i32
    %c0_i32_0 = arith.constant 0 : i32
    %c0_i32_1 = arith.constant 0 : i32
    return %c0_i32, %arg0, %c0_i32_0 : i32, i32, i32
  }
  func.func @transform_4(%arg0: i32) -> (i32, i32) {
    %c0_i32 = arith.constant 0 : i32
    %c0_i32_0 = arith.constant 0 : i32
    %c0_i32_1 = arith.constant 0 : i32
    return %c0_i32, %c0_i32_0 : i32, i32
  }
  func.func @transform_5(%arg0: i32) -> (i32, i32) {
    %c0_i32 = arith.constant 0 : i32
    %c0_i32_0 = arith.constant 0 : i32
    %c0_i32_1 = arith.constant 0 : i32
    return %c0_i32, %c0_i32_0 : i32, i32
  }
  func.func @transform_6(%arg0: i32) -> (i32, i32) {
    %c0_i32 = arith.constant 0 : i32
    %c0_i32_0 = arith.constant 0 : i32
    %c0_i32_1 = arith.constant 0 : i32
    return %c0_i32, %c0_i32_0 : i32, i32
  }
  func.func @transform_7(%arg0: i32) -> (i32, i32) {
    %c0_i32 = arith.constant 0 : i32
    %c0_i32_0 = arith.constant 0 : i32
    %c0_i32_1 = arith.constant 0 : i32
    return %c0_i32, %c0_i32_0 : i32, i32
  }
  func.func @transform_8(%arg0: i32) -> (i32, i32) {
    %c0_i32 = arith.constant 0 : i32
    %c0_i32_0 = arith.constant 0 : i32
    return %arg0, %c0_i32 : i32, i32
  }
}

</mosaic_0001>

<sc_bundles>
// kernel: kernel.11.cloned.1.call-start
scs
__scs_entry_jumppad:
0x0: {  	(pc) =	sbr.rel $0x88, $3  }
0x1: {  	(tag) =	ssettag $0x0;
	lr =	simm.s32 $0x1  }
0x2: {  	[smem:$0x3F9A] =	sst lr;
	_ =	strace $0xD0000000  }
0x3: {  	_ = 	snop  }
0x4: {  	_ = 	snop  }
0x5: {  	_ = 	snop  }
0x6: {  	_ = 	snop  }
0x7: {  	_ = 	snop  }
__scs_overlays_trampoline_lowered:
0x8: {  	[smem:$0x3FA9] =	sst s0  }
0x9: {  	[smem:$0x3FAA] =	sst s1  }
0xa: {  	[smem:$0x3FAB] =	sst s2  }
0xb: {  	[smem:$0x3FAC] =	sst s3  }
0xc: {  	[smem:$0x3FAD] =	sst s4  }
0xd: {  	[smem:$0x3FAE] =	sst s5  }
0xe: {  	[smem:$0x3FAF] =	sst s6  }
0xf: {  	[smem:$0x3FB0] =	sst s7  }
0x10: {  	[smem:$0x3FB1] =	sst s8  }
0x11: {  	[smem:$0x3FB2] =	sst s9;
	s0 =	simm.s32 @!p0 $0x0  }
0x12: {  	s1 =	sld [smem:$0x3F98];
	s0 =	simm.s32 @p0 $0x1  }
0x13: {  	[smem:$0x3FB3] =	sst s0;
	s0 =	simm.s32 @!p1 $0x0  }
0x14: {  	s2 =	sld [smem:$0x3F97];
	s0 =	simm.s32 @p1 $0x1  }
0x15: {  	[smem:$0x3FB4] =	sst s0;
	s0 =	simm.s32 @!p2 $0x0  }
0x16: {  	s3 =	sld [smem:$0x3FDB];
	s0 =	simm.s32 @p2 $0x1  }
0x17: {  	s4 =	simm.s32 $0x1BF5;
	[smem:$0x3FB6] =	sst s0  }
0x18: {  	s0 =	sld [smem:$0x3F99];
	_ =	swait.ge [sflag:s4], $0x0  }
0x19: {  	s7 =	sld [smem:$0x3F9A]  }
0x1a: {  	s8 =	sadd.s32 $0xFFFFE003, lr  }
0x1b: {  	s9 =	sadd.s32 $0xFFFFFEF7, lr;
	s5 =	simm.s32 $0xFFFFFFFF;
	p2 =	slt.u32 s8, $0xFFFFF086  }
0x1c: {  	p1 =	slt.u32 s9, $0xF7A;
	s5 =	simm.s32 @!p2 $0x0  }
0x1d: {  	s5 =	simm.s32 @p1 $0x1;
	p0 =	seq.s32 s7, s2  }
0x1e: {  	s7 =	smul.u32 @!p0 $0xF7A, s2;
	p2 =	seq.s32 @!p0 s5, $0x0  }
0x1f: {  	s9 =	smul.u32 $0xF7A, s1;
	s8 =	simm.s32 @!p0 $0x1BF5;
	p2 =	por !p2, p0  }
0x20: {  	[sflag:s8] =	ssyncset.s32 @!p0 $0xFFFFF086;
	s6 =	sadd.s32 @!p0 s3, s7;
	s7 =	simm.s32 @!p0 $0x108  }
0x21: {  	s3 =	sadd.s32 s3, s9;
	s6 =	sadd.s32 @!p0 $0x88, s6;
	s7 =	simm.s32 @p2 $0x1082  }
0x22: {  	[simem:s7], [sflag:s8] =	dma.local @!p0 [hbm:s6], $0xF7A  }
0x23: {  	s9 =	sor.u32 $0xD0000000, s2;
	s6 =	simm.s32 $0x108;
	_ =	swait.ge @!p0 [sflag:s8], $0x0  }
0x24: {  	s3 =	sadd.s32 $0x88, s3;
	s6 =	simm.s32 @!p1 $0x1082;
	[sflag:s4] =	ssyncset.s32 $0xFFFFF086  }
0x25: {  	[simem:s6], [sflag:s4] =	dma.local [hbm:s3], $0xF7A  }
0x26: {  	[smem:$0x3F9A] =	sst s1;
	(tag) =	ssettag s2;
	_ =	strace s9  }
0x27: {  	s1 =	sld [smem:$0x3FAA]  }
0x28: {  	s2 =	sld [smem:$0x3FAB]  }
0x29: {  	s4 =	sld [smem:$0x3FAD]  }
0x2a: {  	p0 =	seq.s32 s5, $0x0;
	s5 =	sld [smem:$0x3FAE]  }
0x2b: {  	s6 =	sld [smem:$0x3FAF]  }
0x2c: {  	s7 =	sld [smem:$0x3FB0]  }
0x2d: {  	s3 =	simm.s32 $0x108;
	s8 =	sld [smem:$0x3FB1]  }
0x2e: {  	s3 =	simm.s32 @!p0 $0x1082;
	s9 =	sld [smem:$0x3FB2]  }
0x2f: {  	lr =	sadd.s32 s0, s3;
	s0 =	sld [smem:$0x3FA9]  }
0x30: {  	s3 =	sld [smem:$0x3FAC]  }
0x31: {  	[smem:$0x3FB5] =	sst s10  }
0x32: {  	s10 =	sld [smem:$0x3FB3];
	_ =	sdelay $0x3  }
0x33: {  	p0 =	seq.s32 s10, $0x1;
	s10 =	sld [smem:$0x3FB5];
	_ =	sdelay $0x3  }
0x34: {  	[smem:$0x3FB5] =	sst s10  }
0x35: {  	s10 =	sld [smem:$0x3FB4];
	_ =	sdelay $0x3  }
0x36: {  	p1 =	seq.s32 s10, $0x1;
	s10 =	sld [smem:$0x3FB5];
	_ =	sdelay $0x3  }
0x37: {  	[smem:$0x3FB5] =	sst s10  }
0x38: {  	s10 =	sld [smem:$0x3FB6]  }
0x39: {  	_ = 	snop;
	(pc) =	sbr.ind lr, $3  }
0x3a: {  	_ = 	snop  }
0x3b: {  	_ = 	snop  }
0x3c: {  	p2 =	seq.s32 s10, $0x1;
	s10 =	sld [smem:$0x3FB5]  }
0x3d: {  	_ =	shalt  }
0x3e: {  	_ =	shalt  }
0x3f: {  	_ =	shalt  }
0x40: {  	_ =	shalt  }
0x41: {  	_ =	shalt  }
0x42: {  	_ =	shalt  }
0x43: {  	_ =	shalt  }
0x44: {  	_ =	shalt  }
0x45: {  	_ =	shalt  }
0x46: {  	_ =	shalt  }
0x47: {  	_ =	shalt  }
0x48: {  	_ =	shalt  }
0x49: {  	_ =	shalt  }
0x4a: {  	_ =	shalt  }
0x4b: {  	_ =	shalt  }
0x4c: {  	_ =	shalt  }
0x4d: {  	_ =	shalt  }
0x4e: {  	_ =	shalt  }
0x4f: {  	_ =	shalt  }
0x50: {  	_ =	shalt  }
0x51: {  	_ =	shalt  }
0x52: {  	_ =	shalt  }
0x53: {  	_ =	shalt  }
0x54: {  	_ =	shalt  }
0x55: {  	_ =	shalt  }
0x56: {  	_ =	shalt  }
0x57: {  	_ =	shalt  }
0x58: {  	_ =	shalt  }
0x59: {  	_ =	shalt  }
0x5a: {  	_ =	shalt  }
0x5b: {  	_ =	shalt  }
0x5c: {  	_ =	shalt  }
0x5d: {  	_ =	shalt  }
0x5e: {  	_ =	shalt  }
0x5f: {  	_ =	shalt  }
0x60: {  	_ =	shalt  }
0x61: {  	_ =	shalt  }
0x62: {  	_ =	shalt  }
0x63: {  	_ =	shalt  }
0x64: {  	_ =	shalt  }
0x65: {  	_ =	shalt  }
0x66: {  	_ =	shalt  }
0x67: {  	_ =	shalt  }
0x68: {  	_ =	shalt  }
0x69: {  	_ =	shalt  }
0x6a: {  	_ =	shalt  }
0x6b: {  	_ =	shalt  }
0x6c: {  	_ =	shalt  }
0x6d: {  	_ =	shalt  }
0x6e: {  	_ =	shalt  }
0x6f: {  	_ =	shalt  }
0x70: {  	_ =	shalt  }
0x71: {  	_ =	shalt  }
0x72: {  	_ =	shalt  }
0x73: {  	_ =	shalt  }
0x74: {  	_ =	shalt  }
0x75: {  	_ =	shalt  }
0x76: {  	_ =	shalt  }
0x77: {  	_ =	shalt  }
0x78: {  	_ =	shalt  }
0x79: {  	_ =	shalt  }
0x7a: {  	_ =	shalt  }
0x7b: {  	_ =	shalt  }
0x7c: {  	_ =	shalt  }
0x7d: {  	_ =	shalt  }
0x7e: {  	_ =	shalt  }
0x7f: {  	_ =	shalt  }
0x80: {  	_ =	shalt  }
0x81: {  	_ =	shalt  }
0x82: {  	_ =	shalt  }
0x83: {  	_ =	shalt  }
0x84: {  	_ =	shalt  }
0x85: {  	_ =	shalt  }
0x86: {  	_ =	shalt  }
0x87: {  	_ =	shalt  }
.Lfunc_end0:
.L_simem_size_0:
called_computation.1_lowered:
.L_overlay_start_0:
0x88: {  	s2 =	sld [smem:$0x3FD9]  }
0x89: {  	s3 =	sld [smem:$0x3FFE];
	_ =	sdelay $0x1  }
0x8a: {  	s1 =	srdreg.scid  }
0x8b: {  	s0 =	sand.u32 $0x1, s1  }
0x8c: {  	s17 =	sshll.u32 s0, $0xA;
	s2 =	sadd.s32 s3, s2  }
0x8d: {  	s2 =	sadd.s32 s2, s17  }
0x8e: {  	[smem:$0x3FC1] =	sst s2  }
0x8f: {  	_ = 	snop  }
0x90: {  	s2 =	sld [smem:$0x3FD0];
	(tm) =	ssettm $0x1  }
0x91: {  	s18 =	sld [smem:$0x3FFB];
	_ =	sdelay $0x3  }
0x92: {  	_ =	strace s18  }
0x93: {  	s3 =	sld [smem:$0x3FFC];
	_ =	sdelay $0x3  }
0x94: {  	_ =	strace s3  }
0x95: {  	s3 =	sld [smem:$0x3FFD];
	_ =	sdelay $0x3  }
0x96: {  	_ =	strace s3  }
0x97: {  	_ =	strace $0x8FFFFFFF  }
0x98: {  	s19 =	sld [smem:$0x3FDB];
	_ =	sdelay $0x1  }
0x99: {  	s4 =	simm.s32 $_scs_section_size  }
0x9a: {  	s5 =	simm.s32 $_size__tile_overlayer_lowered;
	s6 =	simm.s32 $_tile_overlayer_lowered  }
0x9b: {  	s22 =	simm.s32 $0x1BFF;
	s21 =	sshll.u32 s6, $0x1;
	s3 =	sadd.s32 s4, s19  }
0x9c: {  	s7 =	simm.s32 $0x0;
	s20 =	sshll.u32 s5, $0x1;
	s5 =	sadd.s32 s21, s3  }
0x9d: {  	[timem:s7], [sflag:s22] =	dma.local [hbm:s5], s20  }
0x9e: {  	_ =	swait.ge [sflag:s22], s20  }
0x9f: {  	s4 =	ssub.s32 $0x0, s20;
	[sflag:s22] =	ssyncset.done $0x0  }
0xa0: {  	[sflag:s22] =	ssyncadd.s32 s4;
	_ =	sdelay $0x1  }
0xa1: {  	s23 =	simm.s32 $0x1B8B  }
0xa2: {  	_ =	swait.ge [sflag:s23], $0x1  }
0xa3: {  	[sflag:s23] =	ssyncset.done $0x0  }
0xa4: {  	s25 =	simm.s32 $0x1B8E;
	s24 =	sld [smem:$0x3FFE];
	[sflag:s23] =	ssyncadd.s32 $0xFFFFFFFF  }
0xa5: {  	s26 =	simm.s32 $execute0_lowered;
	[smem:$0x3FD2] =	sst s25  }
0xa6: {  	s5 =	sshll.u32 s26, $0x1;
	_ =	strace $0x80000049;
	[dreg:$0x1] =	wrdreg $0xFFFFFFFF  }
0xa7: {  	s28 =	simm.s32 $_size_execute0_lowered;
	s3 =	sadd.s32 s3, s5;
	[dreg:$0x0] =	wrdreg $0x0  }
0xa8: {  	s5 =	sshll.u32 s28, $0x1;
	[dreg:$0x2] =	wrdreg s3  }
0xa9: {  	[dreg:$0x3] =	wrdreg s5  }
0xaa: {  	[dreg:$0x4] =	wrdreg $0xC0  }
0xab: {  	_ =	task [dreg:s7], $0x5FFFF  }
0xac: {  	[dreg:$0x1] =	wrdreg $0xFFFFFFFF  }
0xad: {  	[dreg:$0x0] =	wrdreg $0x60  }
0xae: {  	[dreg:$0x2] =	wrdreg s24  }
0xaf: {  	[dreg:$0x3] =	wrdreg s2  }
0xb0: {  	[dreg:$0x4] =	wrdreg $0xA8000  }
0xb1: {  	[dreg:$0x5] =	wrdreg $0x9  }
0xb2: {  	_ =	task.clear_ibuf [dreg:s7], $0x6FFFF;
	_ =	strace $0x90000049  }
0xb3: {  	s29 =	simm.s32 $0x9;
	_ =	strace $0x8000004B  }
0xb4: {  	_ =	swait.ge [sflag:s29], $0x1  }
0xb5: {  	[sflag:s29] =	ssyncadd.s32 $0xFFFFFFFF  }
0xb6: {  	_ =	strace $0x9000004B  }
0xb7: {  	_ =	sfence  }
0xb8: {  	s30 =	sld [smem:$0x0];
	_ =	sdelay $0x2  }
0xb9: {  	s31 =	sshll.u32 s1, $0xD;
	s1 =	sshrl.u32 s1, $0x2  }
0xba: {  	s3 =	sand.u32 $0x4000, s31;
	s1 =	sadd.s32 s1, s30  }
0xbb: {  	s0 =	sor.u32 s3, s0;
	s1 =	sshll.u32 s1, $0x11  }
0xbc: {  	s0 =	sor.u32 s1, s0  }
0xbd: {  	s0 =	sadd.s32 $0x8F2B, s0  }
0xbe: {  	[sflag:s0] =	ssyncadd.remote.s32 $0x1  }
0xbf: {  	_ =	sfence.sel $0xFFFF  }
0xc0: {  	[dreg:$0x0] =	wrdreg $0xFFFFFFFF;
	(pc) =	sbr.abs _section_cstart, $3  }
0xc1: {  	[dreg:$0x1] =	wrdreg $0xFFFFFFFF  }
0xc2: {  	_ =	task.clear_ibuf [dreg:s7], $0x2FFFF;
	_ =	strace $0x9FFFFFFF  }
0xc3: {  	(tm) =	ssettm $0x7FFFFFFF  }
tec
execute0_lowered:
.L_overlay_start_1:
0x0: {  	(tag) =	ssettag $0x1  }
0x1: {  	s5 =	rddreg [dreg:$0x0]  }
0x2: {  	s10 =	rddreg [dreg:$0x1]  }
0x3: {  	s2 =	rddreg [dreg:$0x2]  }
0x4: {  	s0 =	rddreg [dreg:$0x3];
	s1 =	stileid.u32  }
0x5: {  	s4 =	srdreg.scid;
	s3 =	simm.s32 $0x0;
	s16 =	simm.s32 $0x80  }
0x6: {  	s17 =	simm.s32 $0x2800;
	s18 =	simm.s32 $0x6800;
	s19 =	simm.s32 $0x1  }
0x7: {  	s20 =	simm.s32 $0x2;
	s21 =	simm.s32 $0x2700;
	s22 =	simm.s32 $0x2780  }
0x8: {  	s23 =	simm.s32 $0x0;
	s6 =	smul.u32 $0x14000, s1;
	s7 =	sand.u32 $0x1, s4  }
0x9: {  	[smem:$0x7FF] =	sst s3;
	s9 =	sadd.s32 $0x2000, s5;
	s26 =	smul.u32 $0x50000, s1  }
0xa: {  	s4 =	sadd.s32 $0x34800, s5;
	s30 =	sshll.u32 s1, $0x6;
	s8 =	smul.u32 $0x140000, s7  }
0xb: {  	_ =	strace $0x8000004A;
	s12 =	sshll.u32 s7, $0x4;
	s28 =	ssub.s32 $0x2, s7  }
0xc: {  	s11 =	sshrl.u32 s6, $0x3;
	s29 =	sor.u32 s1, s12;
	s7 =	sshrl.u32 s28, $0x1  }
0xd: {  	s11 =	sadd.s32 s11, s5;
	s6 =	sadd.s32 s6, s8;
	s8 =	sshrl.u32 s26, $0x2  }
0xe: {  	s12 =	smul.u32 $0x2800, s29;
	s14 =	ssub.s32 s28, s7;
	s6 =	sshrl.u32 s6, $0x3  }
0xf: {  	s15 =	sadd.s32 s8, s2;
	s13 =	sadd.s32 s6, s5;
	s5 =	sadd.s32 $0xC800, s11  }
0x10: {  	s6 =	sor.u32 $0x1C03, s30;
	s31 =	sshrl.u32 s12, $0x3;
	s12 =	smax.u32 s14, $0x1  }
0x11: {  	s14 =	simm.s32 $0x3;
	s7 =	sadd.s32 s9, s31;
	s11 =	sadd.s32 $0x280, s31  }
0x12: {  	s8 =	sadd.s32 s10, s31;
	s9 =	sadd.s32 s9, s11;
	s10 =	sadd.s32 s10, s11  }
0x13: {  	s11 =	sadd.s32 $0x5C800, s13;
	s13 =	sshrl.u32 s15, $0x3;
	s15 =	simm.s32 $0x1400  }
.LBB2_1:
0x14: {  	[spmem:s13], [sflag:s6] =	dma.local [hbm:s5], $0x2800  }
0x15: {  	_ =	swait.ge [sflag:s14], $0x2800  }
0x16: {  	[sflag:s14] =	ssyncset.done $0x0  }
0x17: {  	[sflag:s14] =	ssyncadd.s32 $0xFFFFD800  }
0x18: {  	[bflag:$0x0] =	sbarrier.arrive $0xFFFF  }
0x19: {  	[tilespmem:s3], [sflag:$0x3] =	stream.linear.gather [hbm4b:s7+s3], $0x1400, $0x38;
	[tilespmem:$0x1E800] =	vst v63  }
0x1a: {  	_ =	swait.ge [sflag:s14], $0x1400  }
0x1b: {  	[sflag:s14] =	ssyncset.done $0x0  }
0x1c: {  	[sflag:s14] =	ssyncadd.s32 $0xFFFFEC00  }
0x1d: {  	[tilespmem:s15], [sflag:$0x3] =	stream.linear.gather [hbm4b:s8+s3], $0x1400, $0x38;
	[tilespmem:$0x1E800] =	vst v63  }
0x1e: {  	_ =	swait.ge [sflag:s14], $0x1400  }
0x1f: {  	[sflag:s14] =	ssyncset.done $0x0  }
0x20: {  	[sflag:s14] =	ssyncadd.s32 $0xFFFFEC00  }
0x21: {  	[tilespmem:s17], [sflag:$0x1] =	stream.indirect.gather [hbm4b:s4+s16], $0x80, s3, s16, $0xb8;
	[tilespmem:$0x1E800] =	vst v63  }
0x22: {  	_ = 	snop  }
0x23: {  	[tilespmem:s18], [sflag:$0x2] =	stream.indirect.gather [hbm4b:s4+s16], $0x80, s16, s16, $0xb8;
	[tilespmem:$0x1E800] =	vst v63  }
0x24: {  	_ =	swait.ge [sflag:s19], $0x4000  }
0x25: {  	[sflag:s19] =	ssyncset.done $0x0  }
0x26: {  	s24 =	simm.s32 $0x1400;
	[sflag:s19] =	ssyncadd.s32 $0xFFFFC000  }
0x27: {  	[spmem:s2] =	stream.indirect.scatter.add.f32 [tilespmem:s17], [sflag:$0x3], $0x80, s24, s16, $0xb8;
	[tilespmem:$0x1E800] =	vst v63  }
0x28: {  	_ =	swait.ge [sflag:s14], $0x4000  }
0x29: {  	[sflag:s14] =	ssyncset.done $0x0  }
0x2a: {  	s30 =	simm.s32 $0x100;
	[sflag:s14] =	ssyncadd.s32 $0xFFFFC000  }
0x2b: {  	[tilespmem:s17], [sflag:$0x1] =	stream.indirect.gather [hbm4b:s4+s16], $0x80, s30, s16, $0xb8;
	[tilespmem:$0x1E800] =	vst v63  }
0x2c: {  	_ =	swait.ge [sflag:s20], $0x4000  }
0x2d: {  	[sflag:s20] =	ssyncset.done $0x0  }
0x2e: {  	s31 =	simm.s32 $0x1480;
	[sflag:s20] =	ssyncadd.s32 $0xFFFFC000  }
0x2f: {  	[spmem:s2] =	stream.indirect.scatter.add.f32 [tilespmem:s18], [sflag:$0x3], $0x80, s31, s16, $0xb8;
	[tilespmem:$0x1E800] =	vst v63  }
0x30: {  	_ =	swait.ge [sflag:s14], $0x4000  }
0x31: {  	[sflag:s14] =	ssyncset.done $0x0  }
0x32: {  	s25 =	simm.s32 $0x180;
	s24 =	simm.s32 $0x400;
	[sflag:s14] =	ssyncadd.s32 $0xFFFFC000  }
.LBB2_2:
0x33: {  	[tilespmem:s18], [sflag:$0x2] =	stream.indirect.gather [hbm4b:s4+s16], $0x80, s25, s16, $0xb8;
	[tilespmem:$0x1E800] =	vst v63  }
0x34: {  	s25 =	smov.u32 s24  }
0x35: {  	p0 =	sne.s32 s24, $0x4800;
	s24 =	sadd.s32 $0x400, s24;
	_ =	swait.ge [sflag:s19], $0x4000  }
0x36: {  	s25 =	sshra.s32 s25, $0x2;
	[sflag:s19] =	ssyncset.done $0x0  }
0x37: {  	s26 =	sadd.s32 $0x1400, s25;
	[sflag:s19] =	ssyncadd.s32 $0xFFFFC000  }
0x38: {  	[spmem:s2] =	stream.indirect.scatter.add.f32 [tilespmem:s17], [sflag:$0x3], $0x80, s26, s16, $0xb8;
	[tilespmem:$0x1E800] =	vst v63  }
0x39: {  	_ =	swait.ge [sflag:s14], $0x4000  }
0x3a: {  	[sflag:s14] =	ssyncset.done $0x0  }
0x3b: {  	s26 =	sadd.s32 $0x100, s25;
	[sflag:s14] =	ssyncadd.s32 $0xFFFFC000  }
0x3c: {  	[tilespmem:s17], [sflag:$0x1] =	stream.indirect.gather [hbm4b:s4+s16], $0x80, s26, s16, $0xb8;
	[tilespmem:$0x1E800] =	vst v63  }
0x3d: {  	_ =	swait.ge [sflag:s20], $0x4000  }
0x3e: {  	[sflag:s20] =	ssyncset.done $0x0  }
.Ltmp0:
0x3f: {  	s26 =	sadd.s32 $0x1480, s25;
	[sflag:s20] =	ssyncadd.s32 $0xFFFFC000;
	(pc) =	sbr.rel @p0 .LBB2_2-.Ltmp0, $4  }
0x40: {  	[spmem:s2] =	stream.indirect.scatter.add.f32 [tilespmem:s18], [sflag:$0x3], $0x80, s26, s16, $0xb8;
	[tilespmem:$0x1E800] =	vst v63  }
0x41: {  	_ =	swait.ge [sflag:s14], $0x4000  }
0x42: {  	[sflag:s14] =	ssyncset.done $0x0  }
0x43: {  	s25 =	sadd.s32 $0x180, s25;
	[sflag:s14] =	ssyncadd.s32 $0xFFFFC000  }
0x44: {  	[tilespmem:s18], [sflag:$0x2] =	stream.indirect.gather [hbm4b:s4+s16], $0x80, s25, s16, $0xb8;
	[tilespmem:$0x1E800] =	vst v63  }
0x45: {  	_ =	swait.ge [sflag:s19], $0x4000  }
0x46: {  	[sflag:s19] =	ssyncset.done $0x0  }
0x47: {  	[sflag:s19] =	ssyncadd.s32 $0xFFFFC000  }
0x48: {  	[spmem:s2] =	stream.indirect.scatter.add.f32 [tilespmem:s17], [sflag:$0x3], $0x80, s21, s16, $0xb8;
	[tilespmem:$0x1E800] =	vst v63  }
0x49: {  	_ =	swait.ge [sflag:s14], $0x4000  }
0x4a: {  	[sflag:s14] =	ssyncset.done $0x0  }
0x4b: {  	[sflag:s14] =	ssyncadd.s32 $0xFFFFC000  }
0x4c: {  	_ =	swait.ge [sflag:s20], $0x4000  }
0x4d: {  	[sflag:s20] =	ssyncset.done $0x0  }
0x4e: {  	[sflag:s20] =	ssyncadd.s32 $0xFFFFC000  }
0x4f: {  	[spmem:s2] =	stream.indirect.scatter.add.f32 [tilespmem:s18], [sflag:$0x3], $0x80, s22, s16, $0xb8;
	[tilespmem:$0x1E800] =	vst v63  }
0x50: {  	_ =	swait.ge [sflag:s14], $0x4000  }
0x51: {  	[sflag:s14] =	ssyncset.done $0x0  }
0x52: {  	s24 =	simm.s32 $0x0;
	[sflag:s14] =	ssyncadd.s32 $0xFFFFC000  }
0x53: {  	[tilespmem:s24], [sflag:$0x3] =	stream.linear.gather [hbm4b:s9+s24], $0x1400, $0x38;
	[tilespmem:$0x1E800] =	vst v63  }
0x54: {  	_ =	swait.ge [sflag:s14], $0x1400  }
0x55: {  	[sflag:s14] =	ssyncset.done $0x0  }
0x56: {  	[sflag:s14] =	ssyncadd.s32 $0xFFFFEC00  }
0x57: {  	[tilespmem:s15], [sflag:$0x3] =	stream.linear.gather [hbm4b:s10+s24], $0x1400, $0x38;
	[tilespmem:$0x1E800] =	vst v63  }
0x58: {  	_ =	swait.ge [sflag:s14], $0x1400  }
0x59: {  	[sflag:s14] =	ssyncset.done $0x0  }
0x5a: {  	[sflag:s14] =	ssyncadd.s32 $0xFFFFEC00  }
0x5b: {  	[tilespmem:s17], [sflag:$0x1] =	stream.indirect.gather [hbm4b:s4+s16], $0x80, s24, s16, $0xb8;
	[tilespmem:$0x1E800] =	vst v63  }
0x5c: {  	_ = 	snop  }
0x5d: {  	[tilespmem:s18], [sflag:$0x2] =	stream.indirect.gather [hbm4b:s4+s16], $0x80, s16, s16, $0xb8;
	[tilespmem:$0x1E800] =	vst v63  }
0x5e: {  	_ =	swait.ge [sflag:s19], $0x4000  }
0x5f: {  	[sflag:s19] =	ssyncset.done $0x0  }
0x60: {  	s29 =	simm.s32 $0x1400;
	[sflag:s19] =	ssyncadd.s32 $0xFFFFC000  }
0x61: {  	[spmem:s2] =	stream.indirect.scatter.add.f32 [tilespmem:s17], [sflag:$0x3], $0x80, s29, s16, $0xb8;
	[tilespmem:$0x1E800] =	vst v63  }
0x62: {  	_ =	swait.ge [sflag:s14], $0x4000  }
0x63: {  	[sflag:s14] =	ssyncset.done $0x0  }
0x64: {  	s30 =	simm.s32 $0x100;
	[sflag:s14] =	ssyncadd.s32 $0xFFFFC000  }
0x65: {  	[tilespmem:s17], [sflag:$0x1] =	stream.indirect.gather [hbm4b:s4+s16], $0x80, s30, s16, $0xb8;
	[tilespmem:$0x1E800] =	vst v63  }
0x66: {  	_ =	swait.ge [sflag:s20], $0x4000  }
0x67: {  	[sflag:s20] =	ssyncset.done $0x0  }
0x68: {  	s31 =	simm.s32 $0x1480;
	[sflag:s20] =	ssyncadd.s32 $0xFFFFC000  }
0x69: {  	[spmem:s2] =	stream.indirect.scatter.add.f32 [tilespmem:s18], [sflag:$0x3], $0x80, s31, s16, $0xb8;
	[tilespmem:$0x1E800] =	vst v63  }
0x6a: {  	_ =	swait.ge [sflag:s14], $0x4000  }
0x6b: {  	[sflag:s14] =	ssyncset.done $0x0  }
0x6c: {  	s25 =	simm.s32 $0x180;
	s24 =	simm.s32 $0x400;
	[sflag:s14] =	ssyncadd.s32 $0xFFFFC000  }
.LBB2_4:
0x6d: {  	[tilespmem:s18], [sflag:$0x2] =	stream.indirect.gather [hbm4b:s4+s16], $0x80, s25, s16, $0xb8;
	[tilespmem:$0x1E800] =	vst v63  }
0x6e: {  	s25 =	smov.u32 s24  }
0x6f: {  	p0 =	sne.s32 s24, $0x4800;
	s24 =	sadd.s32 $0x400, s24;
	_ =	swait.ge [sflag:s19], $0x4000  }
0x70: {  	s25 =	sshra.s32 s25, $0x2;
	[sflag:s19] =	ssyncset.done $0x0  }
0x71: {  	s26 =	sadd.s32 $0x1400, s25;
	[sflag:s19] =	ssyncadd.s32 $0xFFFFC000  }
0x72: {  	[spmem:s2] =	stream.indirect.scatter.add.f32 [tilespmem:s17], [sflag:$0x3], $0x80, s26, s16, $0xb8;
	[tilespmem:$0x1E800] =	vst v63  }
0x73: {  	_ =	swait.ge [sflag:s14], $0x4000  }
0x74: {  	[sflag:s14] =	ssyncset.done $0x0  }
0x75: {  	s26 =	sadd.s32 $0x100, s25;
	[sflag:s14] =	ssyncadd.s32 $0xFFFFC000  }
0x76: {  	[tilespmem:s17], [sflag:$0x1] =	stream.indirect.gather [hbm4b:s4+s16], $0x80, s26, s16, $0xb8;
	[tilespmem:$0x1E800] =	vst v63  }
0x77: {  	_ =	swait.ge [sflag:s20], $0x4000  }
0x78: {  	[sflag:s20] =	ssyncset.done $0x0  }
.Ltmp1:
0x79: {  	s26 =	sadd.s32 $0x1480, s25;
	[sflag:s20] =	ssyncadd.s32 $0xFFFFC000;
	(pc) =	sbr.rel @p0 .LBB2_4-.Ltmp1, $4  }
0x7a: {  	[spmem:s2] =	stream.indirect.scatter.add.f32 [tilespmem:s18], [sflag:$0x3], $0x80, s26, s16, $0xb8;
	[tilespmem:$0x1E800] =	vst v63  }
0x7b: {  	_ =	swait.ge [sflag:s14], $0x4000  }
0x7c: {  	[sflag:s14] =	ssyncset.done $0x0  }
0x7d: {  	s25 =	sadd.s32 $0x180, s25;
	[sflag:s14] =	ssyncadd.s32 $0xFFFFC000  }
0x7e: {  	[tilespmem:s18], [sflag:$0x2] =	stream.indirect.gather [hbm4b:s4+s16], $0x80, s25, s16, $0xb8;
	[tilespmem:$0x1E800] =	vst v63  }
0x7f: {  	_ =	swait.ge [sflag:s19], $0x4000  }
0x80: {  	[sflag:s19] =	ssyncset.done $0x0  }
0x81: {  	[sflag:s19] =	ssyncadd.s32 $0xFFFFC000  }
0x82: {  	[spmem:s2] =	stream.indirect.scatter.add.f32 [tilespmem:s17], [sflag:$0x3], $0x80, s21, s16, $0xb8;
	[tilespmem:$0x1E800] =	vst v63  }
0x83: {  	_ =	swait.ge [sflag:s14], $0x4000  }
0x84: {  	[sflag:s14] =	ssyncset.done $0x0  }
0x85: {  	[sflag:s14] =	ssyncadd.s32 $0xFFFFC000  }
0x86: {  	_ =	swait.ge [sflag:s20], $0x4000  }
0x87: {  	[sflag:s20] =	ssyncset.done $0x0  }
0x88: {  	[sflag:s20] =	ssyncadd.s32 $0xFFFFC000  }
0x89: {  	[spmem:s2] =	stream.indirect.scatter.add.f32 [tilespmem:s18], [sflag:$0x3], $0x80, s22, s16, $0xb8;
	[tilespmem:$0x1E800] =	vst v63  }
0x8a: {  	_ =	swait.ge [sflag:s14], $0x4000  }
0x8b: {  	s23 =	sadd.s32 $0x1, s23;
	[sflag:s14] =	ssyncset.done $0x0  }
0x8c: {  	p0 =	sne.s32 s23, s12;
	[sflag:s14] =	ssyncadd.s32 $0xFFFFC000  }
.Ltmp2:
0x8d: {  	[bflag:$0x0] =	sbarrier.arrive $0xFFFF;
	(pc) =	sbr.rel @p0 .LBB2_1-.Ltmp2, $4  }
0x8e: {  	[hbm:s11], [sflag:s6] =	dma.local [spmem:s13], $0x2800  }
0x8f: {  	_ =	swait.ge [sflag:s14], $0x2800  }
0x90: {  	[sflag:s14] =	ssyncset.done $0x0  }
0x91: {  	[sflag:s14] =	ssyncadd.s32 $0xFFFFD800  }
0x92: {  	_ =	sfence.sel $0x180000  }
0x93: {  	[bflag:$0x0] =	sbarrier.arrive $0xFFFF  }
0x94: {  	p0 =	sne.s32 s1, $0x0;
	_ =	strace $0x9000004A  }
0x95: {  	s0 =	sadd.s32 @!p0 $0x100000, s0;
	[bflag:$0x2] =	sbarrier.arrive $0xFFFF  }
0x96: {  	[sflag:s0] =	ssyncadd.tile.s32 @!p0 $0x1;
	_ =	shalt  }
.Lfunc_end2:
_tile_overlayer_lowered:
.L_overlay_start_2:
0x97: {  	(tag) =	ssettag $0x2  }
0x98: {  	s0 =	rddreg [dreg:$0x0];
	s2 =	stileid.u32  }
0x99: {  	s1 =	rddreg [dreg:$0x1];
	p0 =	sne.s32 s2, $0x0  }
0x9a: {  	s3 =	rddreg [dreg:$0x2];
	[bflag:$0x3] =	sbarrier.arrive $0xFFFF;
	s2 =	simm.s32 @!p0 $0x1C03  }
0x9b: {  	[timem:s3], [sflag:s2] =	dma.local @!p0 [hbm:s0], s1  }
0x9c: {  	s0 =	simm.s32 @!p0 $0x3  }
0x9d: {  	_ =	swait.ge @!p0 [sflag:s0], s1  }
0x9e: {  	s1 =	ssub.s32 @!p0 $0x0, s1;
	[sflag:s0] =	ssyncset.done @!p0 $0x0  }
0x9f: {  	[sflag:s0] =	ssyncadd.s32 @!p0 s1  }
0xa0: {  	[bflag:$0x3] =	sbarrier.arrive $0xFFFF  }
0xa1: {  	_ =	shalt  }

// kernel: kernel.14.cloned.1.call-start
scs
__scs_entry_jumppad:
0x0: {  	(pc) =	sbr.rel $0x88, $3  }
0x1: {  	(tag) =	ssettag $0x0;
	lr =	simm.s32 $0x1  }
0x2: {  	[smem:$0x3F9A] =	sst lr;
	_ =	strace $0xD0000000  }
0x3: {  	_ = 	snop  }
0x4: {  	_ = 	snop  }
0x5: {  	_ = 	snop  }
0x6: {  	_ = 	snop  }
0x7: {  	_ = 	snop  }
__scs_overlays_trampoline_lowered:
0x8: {  	[smem:$0x3FA9] =	sst s0  }
0x9: {  	[smem:$0x3FAA] =	sst s1  }
0xa: {  	[smem:$0x3FAB] =	sst s2  }
0xb: {  	[smem:$0x3FAC] =	sst s3  }
0xc: {  	[smem:$0x3FAD] =	sst s4  }
0xd: {  	[smem:$0x3FAE] =	sst s5  }
0xe: {  	[smem:$0x3FAF] =	sst s6  }
0xf: {  	[smem:$0x3FB0] =	sst s7  }
0x10: {  	[smem:$0x3FB1] =	sst s8  }
0x11: {  	[smem:$0x3FB2] =	sst s9;
	s0 =	simm.s32 @!p0 $0x0  }
0x12: {  	s1 =	sld [smem:$0x3F98];
	s0 =	simm.s32 @p0 $0x1  }
0x13: {  	[smem:$0x3FB3] =	sst s0;
	s0 =	simm.s32 @!p1 $0x0  }
0x14: {  	s2 =	sld [smem:$0x3F97];
	s0 =	simm.s32 @p1 $0x1  }
0x15: {  	[smem:$0x3FB4] =	sst s0;
	s0 =	simm.s32 @!p2 $0x0  }
0x16: {  	s3 =	sld [smem:$0x3FDB];
	s0 =	simm.s32 @p2 $0x1  }
0x17: {  	s4 =	simm.s32 $0x1BF5;
	[smem:$0x3FB6] =	sst s0  }
0x18: {  	s0 =	sld [smem:$0x3F99];
	_ =	swait.ge [sflag:s4], $0x0  }
0x19: {  	s7 =	sld [smem:$0x3F9A]  }
0x1a: {  	s8 =	sadd.s32 $0xFFFFE003, lr  }
0x1b: {  	s9 =	sadd.s32 $0xFFFFFEF7, lr;
	s5 =	simm.s32 $0xFFFFFFFF;
	p2 =	slt.u32 s8, $0xFFFFF086  }
0x1c: {  	p1 =	slt.u32 s9, $0xF7A;
	s5 =	simm.s32 @!p2 $0x0  }
0x1d: {  	s5 =	simm.s32 @p1 $0x1;
	p0 =	seq.s32 s7, s2  }
0x1e: {  	s7 =	smul.u32 @!p0 $0xF7A, s2;
	p2 =	seq.s32 @!p0 s5, $0x0  }
0x1f: {  	s9 =	smul.u32 $0xF7A, s1;
	s8 =	simm.s32 @!p0 $0x1BF5;
	p2 =	por !p2, p0  }
0x20: {  	[sflag:s8] =	ssyncset.s32 @!p0 $0xFFFFF086;
	s6 =	sadd.s32 @!p0 s3, s7;
	s7 =	simm.s32 @!p0 $0x108  }
0x21: {  	s3 =	sadd.s32 s3, s9;
	s6 =	sadd.s32 @!p0 $0x88, s6;
	s7 =	simm.s32 @p2 $0x1082  }
0x22: {  	[simem:s7], [sflag:s8] =	dma.local @!p0 [hbm:s6], $0xF7A  }
0x23: {  	s9 =	sor.u32 $0xD0000000, s2;
	s6 =	simm.s32 $0x108;
	_ =	swait.ge @!p0 [sflag:s8], $0x0  }
0x24: {  	s3 =	sadd.s32 $0x88, s3;
	s6 =	simm.s32 @!p1 $0x1082;
	[sflag:s4] =	ssyncset.s32 $0xFFFFF086  }
0x25: {  	[simem:s6], [sflag:s4] =	dma.local [hbm:s3], $0xF7A  }
0x26: {  	[smem:$0x3F9A] =	sst s1;
	(tag) =	ssettag s2;
	_ =	strace s9  }
0x27: {  	s1 =	sld [smem:$0x3FAA]  }
0x28: {  	s2 =	sld [smem:$0x3FAB]  }
0x29: {  	s4 =	sld [smem:$0x3FAD]  }
0x2a: {  	p0 =	seq.s32 s5, $0x0;
	s5 =	sld [smem:$0x3FAE]  }
0x2b: {  	s6 =	sld [smem:$0x3FAF]  }
0x2c: {  	s7 =	sld [smem:$0x3FB0]  }
0x2d: {  	s3 =	simm.s32 $0x108;
	s8 =	sld [smem:$0x3FB1]  }
0x2e: {  	s3 =	simm.s32 @!p0 $0x1082;
	s9 =	sld [smem:$0x3FB2]  }
0x2f: {  	lr =	sadd.s32 s0, s3;
	s0 =	sld [smem:$0x3FA9]  }
0x30: {  	s3 =	sld [smem:$0x3FAC]  }
0x31: {  	[smem:$0x3FB5] =	sst s10  }
0x32: {  	s10 =	sld [smem:$0x3FB3];
	_ =	sdelay $0x3  }
0x33: {  	p0 =	seq.s32 s10, $0x1;
	s10 =	sld [smem:$0x3FB5];
	_ =	sdelay $0x3  }
0x34: {  	[smem:$0x3FB5] =	sst s10  }
0x35: {  	s10 =	sld [smem:$0x3FB4];
	_ =	sdelay $0x3  }
0x36: {  	p1 =	seq.s32 s10, $0x1;
	s10 =	sld [smem:$0x3FB5];
	_ =	sdelay $0x3  }
0x37: {  	[smem:$0x3FB5] =	sst s10  }
0x38: {  	s10 =	sld [smem:$0x3FB6]  }
0x39: {  	_ = 	snop;
	(pc) =	sbr.ind lr, $3  }
0x3a: {  	_ = 	snop  }
0x3b: {  	_ = 	snop  }
0x3c: {  	p2 =	seq.s32 s10, $0x1;
	s10 =	sld [smem:$0x3FB5]  }
0x3d: {  	_ =	shalt  }
0x3e: {  	_ =	shalt  }
0x3f: {  	_ =	shalt  }
0x40: {  	_ =	shalt  }
0x41: {  	_ =	shalt  }
0x42: {  	_ =	shalt  }
0x43: {  	_ =	shalt  }
0x44: {  	_ =	shalt  }
0x45: {  	_ =	shalt  }
0x46: {  	_ =	shalt  }
0x47: {  	_ =	shalt  }
0x48: {  	_ =	shalt  }
0x49: {  	_ =	shalt  }
0x4a: {  	_ =	shalt  }
0x4b: {  	_ =	shalt  }
0x4c: {  	_ =	shalt  }
0x4d: {  	_ =	shalt  }
0x4e: {  	_ =	shalt  }
0x4f: {  	_ =	shalt  }
0x50: {  	_ =	shalt  }
0x51: {  	_ =	shalt  }
0x52: {  	_ =	shalt  }
0x53: {  	_ =	shalt  }
0x54: {  	_ =	shalt  }
0x55: {  	_ =	shalt  }
0x56: {  	_ =	shalt  }
0x57: {  	_ =	shalt  }
0x58: {  	_ =	shalt  }
0x59: {  	_ =	shalt  }
0x5a: {  	_ =	shalt  }
0x5b: {  	_ =	shalt  }
0x5c: {  	_ =	shalt  }
0x5d: {  	_ =	shalt  }
0x5e: {  	_ =	shalt  }
0x5f: {  	_ =	shalt  }
0x60: {  	_ =	shalt  }
0x61: {  	_ =	shalt  }
0x62: {  	_ =	shalt  }
0x63: {  	_ =	shalt  }
0x64: {  	_ =	shalt  }
0x65: {  	_ =	shalt  }
0x66: {  	_ =	shalt  }
0x67: {  	_ =	shalt  }
0x68: {  	_ =	shalt  }
0x69: {  	_ =	shalt  }
0x6a: {  	_ =	shalt  }
0x6b: {  	_ =	shalt  }
0x6c: {  	_ =	shalt  }
0x6d: {  	_ =	shalt  }
0x6e: {  	_ =	shalt  }
0x6f: {  	_ =	shalt  }
0x70: {  	_ =	shalt  }
0x71: {  	_ =	shalt  }
0x72: {  	_ =	shalt  }
0x73: {  	_ =	shalt  }
0x74: {  	_ =	shalt  }
0x75: {  	_ =	shalt  }
0x76: {  	_ =	shalt  }
0x77: {  	_ =	shalt  }
0x78: {  	_ =	shalt  }
0x79: {  	_ =	shalt  }
0x7a: {  	_ =	shalt  }
0x7b: {  	_ =	shalt  }
0x7c: {  	_ =	shalt  }
0x7d: {  	_ =	shalt  }
0x7e: {  	_ =	shalt  }
0x7f: {  	_ =	shalt  }
0x80: {  	_ =	shalt  }
0x81: {  	_ =	shalt  }
0x82: {  	_ =	shalt  }
0x83: {  	_ =	shalt  }
0x84: {  	_ =	shalt  }
0x85: {  	_ =	shalt  }
0x86: {  	_ =	shalt  }
0x87: {  	_ =	shalt  }
.Lfunc_end0:
.L_simem_size_0:
called_computation.2_lowered:
.L_overlay_start_0:
0x88: {  	s2 =	sld [smem:$0x3FD9]  }
0x89: {  	s3 =	sld [smem:$0x3FFE];
	_ =	sdelay $0x1  }
0x8a: {  	s1 =	srdreg.scid  }
0x8b: {  	s0 =	sand.u32 $0x1, s1  }
0x8c: {  	s17 =	sshll.u32 s0, $0xA;
	s2 =	sadd.s32 s3, s2  }
0x8d: {  	s2 =	sadd.s32 s2, s17  }
0x8e: {  	[smem:$0x3FC1] =	sst s2  }
0x8f: {  	_ = 	snop  }
0x90: {  	s2 =	sld [smem:$0x3FD0];
	(tm) =	ssettm $0x1  }
0x91: {  	s18 =	sld [smem:$0x3FFB];
	_ =	sdelay $0x3  }
0x92: {  	_ =	strace s18  }
0x93: {  	s3 =	sld [smem:$0x3FFC];
	_ =	sdelay $0x3  }
0x94: {  	_ =	strace s3  }
0x95: {  	s3 =	sld [smem:$0x3FFD];
	_ =	sdelay $0x3  }
0x96: {  	_ =	strace s3  }
0x97: {  	_ =	strace $0x8FFFFFFF  }
0x98: {  	s19 =	sld [smem:$0x3FDB];
	_ =	sdelay $0x1  }
0x99: {  	s4 =	simm.s32 $_scs_section_size  }
0x9a: {  	s5 =	simm.s32 $_size__tile_overlayer_lowered;
	s6 =	simm.s32 $_tile_overlayer_lowered  }
0x9b: {  	s22 =	simm.s32 $0x1BFF;
	s21 =	sshll.u32 s6, $0x1;
	s3 =	sadd.s32 s4, s19  }
0x9c: {  	s7 =	simm.s32 $0x0;
	s20 =	sshll.u32 s5, $0x1;
	s5 =	sadd.s32 s21, s3  }
0x9d: {  	[timem:s7], [sflag:s22] =	dma.local [hbm:s5], s20  }
0x9e: {  	_ =	swait.ge [sflag:s22], s20  }
0x9f: {  	s4 =	ssub.s32 $0x0, s20;
	[sflag:s22] =	ssyncset.done $0x0  }
0xa0: {  	[sflag:s22] =	ssyncadd.s32 s4;
	_ =	sdelay $0x1  }
0xa1: {  	s23 =	simm.s32 $0x1B8B  }
0xa2: {  	_ =	swait.ge [sflag:s23], $0x1  }
0xa3: {  	[sflag:s23] =	ssyncset.done $0x0  }
0xa4: {  	s25 =	simm.s32 $0x1B8E;
	s24 =	sld [smem:$0x3FFE];
	[sflag:s23] =	ssyncadd.s32 $0xFFFFFFFF  }
0xa5: {  	s26 =	simm.s32 $execute0_lowered;
	[smem:$0x3FD2] =	sst s25  }
0xa6: {  	s5 =	sshll.u32 s26, $0x1;
	_ =	strace $0x8000004C;
	[dreg:$0x1] =	wrdreg $0xFFFFFFFF  }
0xa7: {  	s28 =	simm.s32 $_size_execute0_lowered;
	s3 =	sadd.s32 s3, s5;
	[dreg:$0x0] =	wrdreg $0x0  }
0xa8: {  	s5 =	sshll.u32 s28, $0x1;
	[dreg:$0x2] =	wrdreg s3  }
0xa9: {  	[dreg:$0x3] =	wrdreg s5  }
0xaa: {  	[dreg:$0x4] =	wrdreg $0xC0  }
0xab: {  	_ =	task [dreg:s7], $0x5FFFF  }
0xac: {  	[dreg:$0x1] =	wrdreg $0xFFFFFFFF  }
0xad: {  	[dreg:$0x0] =	wrdreg $0x60  }
0xae: {  	[dreg:$0x2] =	wrdreg s24  }
0xaf: {  	[dreg:$0x3] =	wrdreg s2  }
0xb0: {  	[dreg:$0x4] =	wrdreg $0xA8000  }
0xb1: {  	[dreg:$0x5] =	wrdreg $0x9  }
0xb2: {  	_ =	task.clear_ibuf [dreg:s7], $0x6FFFF;
	_ =	strace $0x9000004C  }
0xb3: {  	s29 =	simm.s32 $0x9;
	_ =	strace $0x8000004E  }
0xb4: {  	_ =	swait.ge [sflag:s29], $0x1  }
0xb5: {  	[sflag:s29] =	ssyncadd.s32 $0xFFFFFFFF  }
0xb6: {  	_ =	strace $0x9000004E  }
0xb7: {  	_ =	sfence  }
0xb8: {  	s30 =	sld [smem:$0x0];
	_ =	sdelay $0x2  }
0xb9: {  	s31 =	sshll.u32 s1, $0xD;
	s1 =	sshrl.u32 s1, $0x2  }
0xba: {  	s3 =	sand.u32 $0x4000, s31;
	s1 =	sadd.s32 s1, s30  }
0xbb: {  	s0 =	sor.u32 s3, s0;
	s1 =	sshll.u32 s1, $0x11  }
0xbc: {  	s0 =	sor.u32 s1, s0  }
0xbd: {  	s0 =	sadd.s32 $0x8F2B, s0  }
0xbe: {  	[sflag:s0] =	ssyncadd.remote.s32 $0x1  }
0xbf: {  	_ =	sfence.sel $0xFFFF  }
0xc0: {  	[dreg:$0x0] =	wrdreg $0xFFFFFFFF;
	(pc) =	sbr.abs _section_cstart, $3  }
0xc1: {  	[dreg:$0x1] =	wrdreg $0xFFFFFFFF  }
0xc2: {  	_ =	task.clear_ibuf [dreg:s7], $0x2FFFF;
	_ =	strace $0x9FFFFFFF  }
0xc3: {  	(tm) =	ssettm $0x7FFFFFFF  }
tec
execute0_lowered:
.L_overlay_start_1:
0x0: {  	(tag) =	ssettag $0x1  }
0x1: {  	s5 =	rddreg [dreg:$0x0]  }
0x2: {  	s10 =	rddreg [dreg:$0x1]  }
0x3: {  	s2 =	rddreg [dreg:$0x2]  }
0x4: {  	s0 =	rddreg [dreg:$0x3];
	s1 =	stileid.u32  }
0x5: {  	s4 =	srdreg.scid;
	s3 =	simm.s32 $0x0;
	s16 =	simm.s32 $0x80  }
0x6: {  	s17 =	simm.s32 $0x2800;
	s18 =	simm.s32 $0x6800;
	s19 =	simm.s32 $0x1  }
0x7: {  	s20 =	simm.s32 $0x2;
	s21 =	simm.s32 $0x2700;
	s22 =	simm.s32 $0x2780  }
0x8: {  	s23 =	simm.s32 $0x0;
	s6 =	smul.u32 $0x14000, s1;
	s7 =	sand.u32 $0x1, s4  }
0x9: {  	[smem:$0x7FF] =	sst s3;
	s9 =	sadd.s32 $0x2000, s5;
	s26 =	smul.u32 $0x50000, s1  }
0xa: {  	s4 =	sadd.s32 $0x34800, s5;
	s30 =	sshll.u32 s1, $0x6;
	s8 =	smul.u32 $0x140000, s7  }
0xb: {  	_ =	strace $0x8000004D;
	s12 =	sshll.u32 s7, $0x4;
	s28 =	ssub.s32 $0x2, s7  }
0xc: {  	s11 =	sshrl.u32 s6, $0x3;
	s29 =	sor.u32 s1, s12;
	s7 =	sshrl.u32 s28, $0x1  }
0xd: {  	s11 =	sadd.s32 s11, s5;
	s6 =	sadd.s32 s6, s8;
	s8 =	sshrl.u32 s26, $0x2  }
0xe: {  	s12 =	smul.u32 $0x2800, s29;
	s14 =	ssub.s32 s28, s7;
	s6 =	sshrl.u32 s6, $0x3  }
0xf: {  	s15 =	sadd.s32 s8, s2;
	s13 =	sadd.s32 s6, s5;
	s5 =	sadd.s32 $0xC800, s11  }
0x10: {  	s6 =	sor.u32 $0x1C03, s30;
	s31 =	sshrl.u32 s12, $0x3;
	s12 =	smax.u32 s14, $0x1  }
0x11: {  	s14 =	simm.s32 $0x3;
	s7 =	sadd.s32 s9, s31;
	s11 =	sadd.s32 $0x280, s31  }
0x12: {  	s8 =	sadd.s32 s10, s31;
	s9 =	sadd.s32 s9, s11;
	s10 =	sadd.s32 s10, s11  }
0x13: {  	s11 =	sadd.s32 $0x5C800, s13;
	s13 =	sshrl.u32 s15, $0x3;
	s15 =	simm.s32 $0x1400  }
.LBB2_1:
0x14: {  	[spmem:s13], [sflag:s6] =	dma.local [hbm:s5], $0x2800  }
0x15: {  	_ =	swait.ge [sflag:s14], $0x2800  }
0x16: {  	[sflag:s14] =	ssyncset.done $0x0  }
0x17: {  	[sflag:s14] =	ssyncadd.s32 $0xFFFFD800  }
0x18: {  	[bflag:$0x0] =	sbarrier.arrive $0xFFFF  }
0x19: {  	[tilespmem:s3], [sflag:$0x3] =	stream.linear.gather [hbm4b:s7+s3], $0x1400, $0x38;
	[tilespmem:$0x1E800] =	vst v63  }
0x1a: {  	_ =	swait.ge [sflag:s14], $0x1400  }
0x1b: {  	[sflag:s14] =	ssyncset.done $0x0  }
0x1c: {  	[sflag:s14] =	ssyncadd.s32 $0xFFFFEC00  }
0x1d: {  	[tilespmem:s15], [sflag:$0x3] =	stream.linear.gather [hbm4b:s8+s3], $0x1400, $0x38;
	[tilespmem:$0x1E800] =	vst v63  }
0x1e: {  	_ =	swait.ge [sflag:s14], $0x1400  }
0x1f: {  	[sflag:s14] =	ssyncset.done $0x0  }
0x20: {  	[sflag:s14] =	ssyncadd.s32 $0xFFFFEC00  }
0x21: {  	[tilespmem:s17], [sflag:$0x1] =	stream.indirect.gather [hbm4b:s4+s16], $0x80, s3, s16, $0xb8;
	[tilespmem:$0x1E800] =	vst v63  }
0x22: {  	_ = 	snop  }
0x23: {  	[tilespmem:s18], [sflag:$0x2] =	stream.indirect.gather [hbm4b:s4+s16], $0x80, s16, s16, $0xb8;
	[tilespmem:$0x1E800] =	vst v63  }
0x24: {  	_ =	swait.ge [sflag:s19], $0x4000  }
0x25: {  	[sflag:s19] =	ssyncset.done $0x0  }
0x26: {  	s24 =	simm.s32 $0x1400;
	[sflag:s19] =	ssyncadd.s32 $0xFFFFC000  }
0x27: {  	[spmem:s2] =	stream.indirect.scatter.add.f32 [tilespmem:s17], [sflag:$0x3], $0x80, s24, s16, $0xb8;
	[tilespmem:$0x1E800] =	vst v63  }
0x28: {  	_ =	swait.ge [sflag:s14], $0x4000  }
0x29: {  	[sflag:s14] =	ssyncset.done $0x0  }
0x2a: {  	s30 =	simm.s32 $0x100;
	[sflag:s14] =	ssyncadd.s32 $0xFFFFC000  }
0x2b: {  	[tilespmem:s17], [sflag:$0x1] =	stream.indirect.gather [hbm4b:s4+s16], $0x80, s30, s16, $0xb8;
	[tilespmem:$0x1E800] =	vst v63  }
0x2c: {  	_ =	swait.ge [sflag:s20], $0x4000  }
0x2d: {  	[sflag:s20] =	ssyncset.done $0x0  }
0x2e: {  	s31 =	simm.s32 $0x1480;
	[sflag:s20] =	ssyncadd.s32 $0xFFFFC000  }
0x2f: {  	[spmem:s2] =	stream.indirect.scatter.add.f32 [tilespmem:s18], [sflag:$0x3], $0x80, s31, s16, $0xb8;
	[tilespmem:$0x1E800] =	vst v63  }
0x30: {  	_ =	swait.ge [sflag:s14], $0x4000  }
0x31: {  	[sflag:s14] =	ssyncset.done $0x0  }
0x32: {  	s25 =	simm.s32 $0x180;
	s24 =	simm.s32 $0x400;
	[sflag:s14] =	ssyncadd.s32 $0xFFFFC000  }
.LBB2_2:
0x33: {  	[tilespmem:s18], [sflag:$0x2] =	stream.indirect.gather [hbm4b:s4+s16], $0x80, s25, s16, $0xb8;
	[tilespmem:$0x1E800] =	vst v63  }
0x34: {  	s25 =	smov.u32 s24  }
0x35: {  	p0 =	sne.s32 s24, $0x4800;
	s24 =	sadd.s32 $0x400, s24;
	_ =	swait.ge [sflag:s19], $0x4000  }
0x36: {  	s25 =	sshra.s32 s25, $0x2;
	[sflag:s19] =	ssyncset.done $0x0  }
0x37: {  	s26 =	sadd.s32 $0x1400, s25;
	[sflag:s19] =	ssyncadd.s32 $0xFFFFC000  }
0x38: {  	[spmem:s2] =	stream.indirect.scatter.add.f32 [tilespmem:s17], [sflag:$0x3], $0x80, s26, s16, $0xb8;
	[tilespmem:$0x1E800] =	vst v63  }
0x39: {  	_ =	swait.ge [sflag:s14], $0x4000  }
0x3a: {  	[sflag:s14] =	ssyncset.done $0x0  }
0x3b: {  	s26 =	sadd.s32 $0x100, s25;
	[sflag:s14] =	ssyncadd.s32 $0xFFFFC000  }
0x3c: {  	[tilespmem:s17], [sflag:$0x1] =	stream.indirect.gather [hbm4b:s4+s16], $0x80, s26, s16, $0xb8;
	[tilespmem:$0x1E800] =	vst v63  }
0x3d: {  	_ =	swait.ge [sflag:s20], $0x4000  }
0x3e: {  	[sflag:s20] =	ssyncset.done $0x0  }
.Ltmp0:
0x3f: {  	s26 =	sadd.s32 $0x1480, s25;
	[sflag:s20] =	ssyncadd.s32 $0xFFFFC000;
	(pc) =	sbr.rel @p0 .LBB2_2-.Ltmp0, $4  }
0x40: {  	[spmem:s2] =	stream.indirect.scatter.add.f32 [tilespmem:s18], [sflag:$0x3], $0x80, s26, s16, $0xb8;
	[tilespmem:$0x1E800] =	vst v63  }
0x41: {  	_ =	swait.ge [sflag:s14], $0x4000  }
0x42: {  	[sflag:s14] =	ssyncset.done $0x0  }
0x43: {  	s25 =	sadd.s32 $0x180, s25;
	[sflag:s14] =	ssyncadd.s32 $0xFFFFC000  }
0x44: {  	[tilespmem:s18], [sflag:$0x2] =	stream.indirect.gather [hbm4b:s4+s16], $0x80, s25, s16, $0xb8;
	[tilespmem:$0x1E800] =	vst v63  }
0x45: {  	_ =	swait.ge [sflag:s19], $0x4000  }
0x46: {  	[sflag:s19] =	ssyncset.done $0x0  }
0x47: {  	[sflag:s19] =	ssyncadd.s32 $0xFFFFC000  }
0x48: {  	[spmem:s2] =	stream.indirect.scatter.add.f32 [tilespmem:s17], [sflag:$0x3], $0x80, s21, s16, $0xb8;
	[tilespmem:$0x1E800] =	vst v63  }
0x49: {  	_ =	swait.ge [sflag:s14], $0x4000  }
0x4a: {  	[sflag:s14] =	ssyncset.done $0x0  }
0x4b: {  	[sflag:s14] =	ssyncadd.s32 $0xFFFFC000  }
0x4c: {  	_ =	swait.ge [sflag:s20], $0x4000  }
0x4d: {  	[sflag:s20] =	ssyncset.done $0x0  }
0x4e: {  	[sflag:s20] =	ssyncadd.s32 $0xFFFFC000  }
0x4f: {  	[spmem:s2] =	stream.indirect.scatter.add.f32 [tilespmem:s18], [sflag:$0x3], $0x80, s22, s16, $0xb8;
	[tilespmem:$0x1E800] =	vst v63  }
0x50: {  	_ =	swait.ge [sflag:s14], $0x4000  }
0x51: {  	[sflag:s14] =	ssyncset.done $0x0  }
0x52: {  	s24 =	simm.s32 $0x0;
	[sflag:s14] =	ssyncadd.s32 $0xFFFFC000  }
0x53: {  	[tilespmem:s24], [sflag:$0x3] =	stream.linear.gather [hbm4b:s9+s24], $0x1400, $0x38;
	[tilespmem:$0x1E800] =	vst v63  }
0x54: {  	_ =	swait.ge [sflag:s14], $0x1400  }
0x55: {  	[sflag:s14] =	ssyncset.done $0x0  }
0x56: {  	[sflag:s14] =	ssyncadd.s32 $0xFFFFEC00  }
0x57: {  	[tilespmem:s15], [sflag:$0x3] =	stream.linear.gather [hbm4b:s10+s24], $0x1400, $0x38;
	[tilespmem:$0x1E800] =	vst v63  }
0x58: {  	_ =	swait.ge [sflag:s14], $0x1400  }
0x59: {  	[sflag:s14] =	ssyncset.done $0x0  }
0x5a: {  	[sflag:s14] =	ssyncadd.s32 $0xFFFFEC00  }
0x5b: {  	[tilespmem:s17], [sflag:$0x1] =	stream.indirect.gather [hbm4b:s4+s16], $0x80, s24, s16, $0xb8;
	[tilespmem:$0x1E800] =	vst v63  }
0x5c: {  	_ = 	snop  }
0x5d: {  	[tilespmem:s18], [sflag:$0x2] =	stream.indirect.gather [hbm4b:s4+s16], $0x80, s16, s16, $0xb8;
	[tilespmem:$0x1E800] =	vst v63  }
0x5e: {  	_ =	swait.ge [sflag:s19], $0x4000  }
0x5f: {  	[sflag:s19] =	ssyncset.done $0x0  }
0x60: {  	s29 =	simm.s32 $0x1400;
	[sflag:s19] =	ssyncadd.s32 $0xFFFFC000  }
0x61: {  	[spmem:s2] =	stream.indirect.scatter.add.f32 [tilespmem:s17], [sflag:$0x3], $0x80, s29, s16, $0xb8;
	[tilespmem:$0x1E800] =	vst v63  }
0x62: {  	_ =	swait.ge [sflag:s14], $0x4000  }
0x63: {  	[sflag:s14] =	ssyncset.done $0x0  }
0x64: {  	s30 =	simm.s32 $0x100;
	[sflag:s14] =	ssyncadd.s32 $0xFFFFC000  }
0x65: {  	[tilespmem:s17], [sflag:$0x1] =	stream.indirect.gather [hbm4b:s4+s16], $0x80, s30, s16, $0xb8;
	[tilespmem:$0x1E800] =	vst v63  }
0x66: {  	_ =	swait.ge [sflag:s20], $0x4000  }
0x67: {  	[sflag:s20] =	ssyncset.done $0x0  }
0x68: {  	s31 =	simm.s32 $0x1480;
	[sflag:s20] =	ssyncadd.s32 $0xFFFFC000  }
0x69: {  	[spmem:s2] =	stream.indirect.scatter.add.f32 [tilespmem:s18], [sflag:$0x3], $0x80, s31, s16, $0xb8;
	[tilespmem:$0x1E800] =	vst v63  }
0x6a: {  	_ =	swait.ge [sflag:s14], $0x4000  }
0x6b: {  	[sflag:s14] =	ssyncset.done $0x0  }
0x6c: {  	s25 =	simm.s32 $0x180;
	s24 =	simm.s32 $0x400;
	[sflag:s14] =	ssyncadd.s32 $0xFFFFC000  }
.LBB2_4:
0x6d: {  	[tilespmem:s18], [sflag:$0x2] =	stream.indirect.gather [hbm4b:s4+s16], $0x80, s25, s16, $0xb8;
	[tilespmem:$0x1E800] =	vst v63  }
0x6e: {  	s25 =	smov.u32 s24  }
0x6f: {  	p0 =	sne.s32 s24, $0x4800;
	s24 =	sadd.s32 $0x400, s24;
	_ =	swait.ge [sflag:s19], $0x4000  }
0x70: {  	s25 =	sshra.s32 s25, $0x2;
	[sflag:s19] =	ssyncset.done $0x0  }
0x71: {  	s26 =	sadd.s32 $0x1400, s25;
	[sflag:s19] =	ssyncadd.s32 $0xFFFFC000  }
0x72: {  	[spmem:s2] =	stream.indirect.scatter.add.f32 [tilespmem:s17], [sflag:$0x3], $0x80, s26, s16, $0xb8;
	[tilespmem:$0x1E800] =	vst v63  }
0x73: {  	_ =	swait.ge [sflag:s14], $0x4000  }
0x74: {  	[sflag:s14] =	ssyncset.done $0x0  }
0x75: {  	s26 =	sadd.s32 $0x100, s25;
	[sflag:s14] =	ssyncadd.s32 $0xFFFFC000  }
0x76: {  	[tilespmem:s17], [sflag:$0x1] =	stream.indirect.gather [hbm4b:s4+s16], $0x80, s26, s16, $0xb8;
	[tilespmem:$0x1E800] =	vst v63  }
0x77: {  	_ =	swait.ge [sflag:s20], $0x4000  }
0x78: {  	[sflag:s20] =	ssyncset.done $0x0  }
.Ltmp1:
0x79: {  	s26 =	sadd.s32 $0x1480, s25;
	[sflag:s20] =	ssyncadd.s32 $0xFFFFC000;
	(pc) =	sbr.rel @p0 .LBB2_4-.Ltmp1, $4  }
0x7a: {  	[spmem:s2] =	stream.indirect.scatter.add.f32 [tilespmem:s18], [sflag:$0x3], $0x80, s26, s16, $0xb8;
	[tilespmem:$0x1E800] =	vst v63  }
0x7b: {  	_ =	swait.ge [sflag:s14], $0x4000  }
0x7c: {  	[sflag:s14] =	ssyncset.done $0x0  }
0x7d: {  	s25 =	sadd.s32 $0x180, s25;
	[sflag:s14] =	ssyncadd.s32 $0xFFFFC000  }
0x7e: {  	[tilespmem:s18], [sflag:$0x2] =	stream.indirect.gather [hbm4b:s4+s16], $0x80, s25, s16, $0xb8;
	[tilespmem:$0x1E800] =	vst v63  }
0x7f: {  	_ =	swait.ge [sflag:s19], $0x4000  }
0x80: {  	[sflag:s19] =	ssyncset.done $0x0  }
0x81: {  	[sflag:s19] =	ssyncadd.s32 $0xFFFFC000  }
0x82: {  	[spmem:s2] =	stream.indirect.scatter.add.f32 [tilespmem:s17], [sflag:$0x3], $0x80, s21, s16, $0xb8;
	[tilespmem:$0x1E800] =	vst v63  }
0x83: {  	_ =	swait.ge [sflag:s14], $0x4000  }
0x84: {  	[sflag:s14] =	ssyncset.done $0x0  }
0x85: {  	[sflag:s14] =	ssyncadd.s32 $0xFFFFC000  }
0x86: {  	_ =	swait.ge [sflag:s20], $0x4000  }
0x87: {  	[sflag:s20] =	ssyncset.done $0x0  }
0x88: {  	[sflag:s20] =	ssyncadd.s32 $0xFFFFC000  }
0x89: {  	[spmem:s2] =	stream.indirect.scatter.add.f32 [tilespmem:s18], [sflag:$0x3], $0x80, s22, s16, $0xb8;
	[tilespmem:$0x1E800] =	vst v63  }
0x8a: {  	_ =	swait.ge [sflag:s14], $0x4000  }
0x8b: {  	s23 =	sadd.s32 $0x1, s23;
	[sflag:s14] =	ssyncset.done $0x0  }
0x8c: {  	p0 =	sne.s32 s23, s12;
	[sflag:s14] =	ssyncadd.s32 $0xFFFFC000  }
.Ltmp2:
0x8d: {  	[bflag:$0x0] =	sbarrier.arrive $0xFFFF;
	(pc) =	sbr.rel @p0 .LBB2_1-.Ltmp2, $4  }
0x8e: {  	[hbm:s11], [sflag:s6] =	dma.local [spmem:s13], $0x2800  }
0x8f: {  	_ =	swait.ge [sflag:s14], $0x2800  }
0x90: {  	[sflag:s14] =	ssyncset.done $0x0  }
0x91: {  	[sflag:s14] =	ssyncadd.s32 $0xFFFFD800  }
0x92: {  	_ =	sfence.sel $0x180000  }
0x93: {  	[bflag:$0x0] =	sbarrier.arrive $0xFFFF  }
0x94: {  	p0 =	sne.s32 s1, $0x0;
	_ =	strace $0x9000004D  }
0x95: {  	s0 =	sadd.s32 @!p0 $0x100000, s0;
	[bflag:$0x2] =	sbarrier.arrive $0xFFFF  }
0x96: {  	[sflag:s0] =	ssyncadd.tile.s32 @!p0 $0x1;
	_ =	shalt  }
.Lfunc_end2:
_tile_overlayer_lowered:
.L_overlay_start_2:
0x97: {  	(tag) =	ssettag $0x2  }
0x98: {  	s0 =	rddreg [dreg:$0x0];
	s2 =	stileid.u32  }
0x99: {  	s1 =	rddreg [dreg:$0x1];
	p0 =	sne.s32 s2, $0x0  }
0x9a: {  	s3 =	rddreg [dreg:$0x2];
	[bflag:$0x3] =	sbarrier.arrive $0xFFFF;
	s2 =	simm.s32 @!p0 $0x1C03  }
0x9b: {  	[timem:s3], [sflag:s2] =	dma.local @!p0 [hbm:s0], s1  }
0x9c: {  	s0 =	simm.s32 @!p0 $0x3  }
0x9d: {  	_ =	swait.ge @!p0 [sflag:s0], s1  }
0x9e: {  	s1 =	ssub.s32 @!p0 $0x0, s1;
	[sflag:s0] =	ssyncset.done @!p0 $0x0  }
0x9f: {  	[sflag:s0] =	ssyncadd.s32 @!p0 s1  }
0xa0: {  	[bflag:$0x3] =	sbarrier.arrive $0xFFFF  }
0xa1: {  	_ =	shalt  }

// kernel: kernel.8.cloned.1.call-start
scs
__scs_entry_jumppad:
0x0: {  	(pc) =	sbr.rel $0x88, $3  }
0x1: {  	(tag) =	ssettag $0x0;
	lr =	simm.s32 $0x1  }
0x2: {  	[smem:$0x3F9A] =	sst lr;
	_ =	strace $0xD0000000  }
0x3: {  	_ = 	snop  }
0x4: {  	_ = 	snop  }
0x5: {  	_ = 	snop  }
0x6: {  	_ = 	snop  }
0x7: {  	_ = 	snop  }
__scs_overlays_trampoline_lowered:
0x8: {  	[smem:$0x3FA9] =	sst s0  }
0x9: {  	[smem:$0x3FAA] =	sst s1  }
0xa: {  	[smem:$0x3FAB] =	sst s2  }
0xb: {  	[smem:$0x3FAC] =	sst s3  }
0xc: {  	[smem:$0x3FAD] =	sst s4  }
0xd: {  	[smem:$0x3FAE] =	sst s5  }
0xe: {  	[smem:$0x3FAF] =	sst s6  }
0xf: {  	[smem:$0x3FB0] =	sst s7  }
0x10: {  	[smem:$0x3FB1] =	sst s8  }
0x11: {  	[smem:$0x3FB2] =	sst s9;
	s0 =	simm.s32 @!p0 $0x0  }
0x12: {  	s1 =	sld [smem:$0x3F98];
	s0 =	simm.s32 @p0 $0x1  }
0x13: {  	[smem:$0x3FB3] =	sst s0;
	s0 =	simm.s32 @!p1 $0x0  }
0x14: {  	s2 =	sld [smem:$0x3F97];
	s0 =	simm.s32 @p1 $0x1  }
0x15: {  	[smem:$0x3FB4] =	sst s0;
	s0 =	simm.s32 @!p2 $0x0  }
0x16: {  	s3 =	sld [smem:$0x3FDB];
	s0 =	simm.s32 @p2 $0x1  }
0x17: {  	s4 =	simm.s32 $0x1BF5;
	[smem:$0x3FB6] =	sst s0  }
0x18: {  	s0 =	sld [smem:$0x3F99];
	_ =	swait.ge [sflag:s4], $0x0  }
0x19: {  	s7 =	sld [smem:$0x3F9A]  }
0x1a: {  	s8 =	sadd.s32 $0xFFFFE003, lr  }
0x1b: {  	s9 =	sadd.s32 $0xFFFFFEF7, lr;
	s5 =	simm.s32 $0xFFFFFFFF;
	p2 =	slt.u32 s8, $0xFFFFF086  }
0x1c: {  	p1 =	slt.u32 s9, $0xF7A;
	s5 =	simm.s32 @!p2 $0x0  }
0x1d: {  	s5 =	simm.s32 @p1 $0x1;
	p0 =	seq.s32 s7, s2  }
0x1e: {  	s7 =	smul.u32 @!p0 $0xF7A, s2;
	p2 =	seq.s32 @!p0 s5, $0x0  }
0x1f: {  	s9 =	smul.u32 $0xF7A, s1;
	s8 =	simm.s32 @!p0 $0x1BF5;
	p2 =	por !p2, p0  }
0x20: {  	[sflag:s8] =	ssyncset.s32 @!p0 $0xFFFFF086;
	s6 =	sadd.s32 @!p0 s3, s7;
	s7 =	simm.s32 @!p0 $0x108  }
0x21: {  	s3 =	sadd.s32 s3, s9;
	s6 =	sadd.s32 @!p0 $0x88, s6;
	s7 =	simm.s32 @p2 $0x1082  }
0x22: {  	[simem:s7], [sflag:s8] =	dma.local @!p0 [hbm:s6], $0xF7A  }
0x23: {  	s9 =	sor.u32 $0xD0000000, s2;
	s6 =	simm.s32 $0x108;
	_ =	swait.ge @!p0 [sflag:s8], $0x0  }
0x24: {  	s3 =	sadd.s32 $0x88, s3;
	s6 =	simm.s32 @!p1 $0x1082;
	[sflag:s4] =	ssyncset.s32 $0xFFFFF086  }
0x25: {  	[simem:s6], [sflag:s4] =	dma.local [hbm:s3], $0xF7A  }
0x26: {  	[smem:$0x3F9A] =	sst s1;
	(tag) =	ssettag s2;
	_ =	strace s9  }
0x27: {  	s1 =	sld [smem:$0x3FAA]  }
0x28: {  	s2 =	sld [smem:$0x3FAB]  }
0x29: {  	s4 =	sld [smem:$0x3FAD]  }
0x2a: {  	p0 =	seq.s32 s5, $0x0;
	s5 =	sld [smem:$0x3FAE]  }
0x2b: {  	s6 =	sld [smem:$0x3FAF]  }
0x2c: {  	s7 =	sld [smem:$0x3FB0]  }
0x2d: {  	s3 =	simm.s32 $0x108;
	s8 =	sld [smem:$0x3FB1]  }
0x2e: {  	s3 =	simm.s32 @!p0 $0x1082;
	s9 =	sld [smem:$0x3FB2]  }
0x2f: {  	lr =	sadd.s32 s0, s3;
	s0 =	sld [smem:$0x3FA9]  }
0x30: {  	s3 =	sld [smem:$0x3FAC]  }
0x31: {  	[smem:$0x3FB5] =	sst s10  }
0x32: {  	s10 =	sld [smem:$0x3FB3];
	_ =	sdelay $0x3  }
0x33: {  	p0 =	seq.s32 s10, $0x1;
	s10 =	sld [smem:$0x3FB5];
	_ =	sdelay $0x3  }
0x34: {  	[smem:$0x3FB5] =	sst s10  }
0x35: {  	s10 =	sld [smem:$0x3FB4];
	_ =	sdelay $0x3  }
0x36: {  	p1 =	seq.s32 s10, $0x1;
	s10 =	sld [smem:$0x3FB5];
	_ =	sdelay $0x3  }
0x37: {  	[smem:$0x3FB5] =	sst s10  }
0x38: {  	s10 =	sld [smem:$0x3FB6]  }
0x39: {  	_ = 	snop;
	(pc) =	sbr.ind lr, $3  }
0x3a: {  	_ = 	snop  }
0x3b: {  	_ = 	snop  }
0x3c: {  	p2 =	seq.s32 s10, $0x1;
	s10 =	sld [smem:$0x3FB5]  }
0x3d: {  	_ =	shalt  }
0x3e: {  	_ =	shalt  }
0x3f: {  	_ =	shalt  }
0x40: {  	_ =	shalt  }
0x41: {  	_ =	shalt  }
0x42: {  	_ =	shalt  }
0x43: {  	_ =	shalt  }
0x44: {  	_ =	shalt  }
0x45: {  	_ =	shalt  }
0x46: {  	_ =	shalt  }
0x47: {  	_ =	shalt  }
0x48: {  	_ =	shalt  }
0x49: {  	_ =	shalt  }
0x4a: {  	_ =	shalt  }
0x4b: {  	_ =	shalt  }
0x4c: {  	_ =	shalt  }
0x4d: {  	_ =	shalt  }
0x4e: {  	_ =	shalt  }
0x4f: {  	_ =	shalt  }
0x50: {  	_ =	shalt  }
0x51: {  	_ =	shalt  }
0x52: {  	_ =	shalt  }
0x53: {  	_ =	shalt  }
0x54: {  	_ =	shalt  }
0x55: {  	_ =	shalt  }
0x56: {  	_ =	shalt  }
0x57: {  	_ =	shalt  }
0x58: {  	_ =	shalt  }
0x59: {  	_ =	shalt  }
0x5a: {  	_ =	shalt  }
0x5b: {  	_ =	shalt  }
0x5c: {  	_ =	shalt  }
0x5d: {  	_ =	shalt  }
0x5e: {  	_ =	shalt  }
0x5f: {  	_ =	shalt  }
0x60: {  	_ =	shalt  }
0x61: {  	_ =	shalt  }
0x62: {  	_ =	shalt  }
0x63: {  	_ =	shalt  }
0x64: {  	_ =	shalt  }
0x65: {  	_ =	shalt  }
0x66: {  	_ =	shalt  }
0x67: {  	_ =	shalt  }
0x68: {  	_ =	shalt  }
0x69: {  	_ =	shalt  }
0x6a: {  	_ =	shalt  }
0x6b: {  	_ =	shalt  }
0x6c: {  	_ =	shalt  }
0x6d: {  	_ =	shalt  }
0x6e: {  	_ =	shalt  }
0x6f: {  	_ =	shalt  }
0x70: {  	_ =	shalt  }
0x71: {  	_ =	shalt  }
0x72: {  	_ =	shalt  }
0x73: {  	_ =	shalt  }
0x74: {  	_ =	shalt  }
0x75: {  	_ =	shalt  }
0x76: {  	_ =	shalt  }
0x77: {  	_ =	shalt  }
0x78: {  	_ =	shalt  }
0x79: {  	_ =	shalt  }
0x7a: {  	_ =	shalt  }
0x7b: {  	_ =	shalt  }
0x7c: {  	_ =	shalt  }
0x7d: {  	_ =	shalt  }
0x7e: {  	_ =	shalt  }
0x7f: {  	_ =	shalt  }
0x80: {  	_ =	shalt  }
0x81: {  	_ =	shalt  }
0x82: {  	_ =	shalt  }
0x83: {  	_ =	shalt  }
0x84: {  	_ =	shalt  }
0x85: {  	_ =	shalt  }
0x86: {  	_ =	shalt  }
0x87: {  	_ =	shalt  }
.Lfunc_end0:
.L_simem_size_0:
called_computation_lowered:
.L_overlay_start_0:
0x88: {  	s2 =	sld [smem:$0x3FD9]  }
0x89: {  	s3 =	sld [smem:$0x3FFE];
	_ =	sdelay $0x1  }
0x8a: {  	s1 =	srdreg.scid  }
0x8b: {  	s0 =	sand.u32 $0x1, s1  }
0x8c: {  	s17 =	sshll.u32 s0, $0xA;
	s2 =	sadd.s32 s3, s2  }
0x8d: {  	s2 =	sadd.s32 s2, s17  }
0x8e: {  	[smem:$0x3FC1] =	sst s2  }
0x8f: {  	_ = 	snop  }
0x90: {  	s2 =	sld [smem:$0x3FD0];
	(tm) =	ssettm $0x1  }
0x91: {  	s18 =	sld [smem:$0x3FFB];
	_ =	sdelay $0x3  }
0x92: {  	_ =	strace s18  }
0x93: {  	s3 =	sld [smem:$0x3FFC];
	_ =	sdelay $0x3  }
0x94: {  	_ =	strace s3  }
0x95: {  	s3 =	sld [smem:$0x3FFD];
	_ =	sdelay $0x3  }
0x96: {  	_ =	strace s3  }
0x97: {  	_ =	strace $0x8FFFFFFF  }
0x98: {  	s19 =	sld [smem:$0x3FDB];
	_ =	sdelay $0x1  }
0x99: {  	s4 =	simm.s32 $_scs_section_size  }
0x9a: {  	s5 =	simm.s32 $_size__tile_overlayer_lowered;
	s6 =	simm.s32 $_tile_overlayer_lowered  }
0x9b: {  	s22 =	simm.s32 $0x1BFF;
	s21 =	sshll.u32 s6, $0x1;
	s3 =	sadd.s32 s4, s19  }
0x9c: {  	s7 =	simm.s32 $0x0;
	s20 =	sshll.u32 s5, $0x1;
	s5 =	sadd.s32 s21, s3  }
0x9d: {  	[timem:s7], [sflag:s22] =	dma.local [hbm:s5], s20  }
0x9e: {  	_ =	swait.ge [sflag:s22], s20  }
0x9f: {  	s4 =	ssub.s32 $0x0, s20;
	[sflag:s22] =	ssyncset.done $0x0  }
0xa0: {  	[sflag:s22] =	ssyncadd.s32 s4;
	_ =	sdelay $0x1  }
0xa1: {  	s23 =	simm.s32 $0x1B8B  }
0xa2: {  	_ =	swait.ge [sflag:s23], $0x1  }
0xa3: {  	[sflag:s23] =	ssyncset.done $0x0  }
0xa4: {  	s25 =	simm.s32 $0x1B8E;
	s24 =	sld [smem:$0x3FFE];
	[sflag:s23] =	ssyncadd.s32 $0xFFFFFFFF  }
0xa5: {  	s26 =	simm.s32 $execute0_lowered;
	[smem:$0x3FD2] =	sst s25  }
0xa6: {  	s5 =	sshll.u32 s26, $0x1;
	_ =	strace $0x80000046;
	[dreg:$0x1] =	wrdreg $0xFFFFFFFF  }
0xa7: {  	s28 =	simm.s32 $_size_execute0_lowered;
	s3 =	sadd.s32 s3, s5;
	[dreg:$0x0] =	wrdreg $0x0  }
0xa8: {  	s5 =	sshll.u32 s28, $0x1;
	[dreg:$0x2] =	wrdreg s3  }
0xa9: {  	[dreg:$0x3] =	wrdreg s5  }
0xaa: {  	[dreg:$0x4] =	wrdreg $0xC0  }
0xab: {  	_ =	task [dreg:s7], $0x5FFFF  }
0xac: {  	[dreg:$0x1] =	wrdreg $0xFFFFFFFF  }
0xad: {  	[dreg:$0x0] =	wrdreg $0x60  }
0xae: {  	[dreg:$0x2] =	wrdreg s2  }
0xaf: {  	[dreg:$0x3] =	wrdreg s24  }
0xb0: {  	[dreg:$0x4] =	wrdreg $0x68000  }
0xb1: {  	[dreg:$0x5] =	wrdreg $0x9  }
0xb2: {  	_ =	task.clear_ibuf [dreg:s7], $0x6FFFF;
	_ =	strace $0x90000046  }
0xb3: {  	s29 =	simm.s32 $0x9;
	_ =	strace $0x80000048  }
0xb4: {  	_ =	swait.ge [sflag:s29], $0x1  }
0xb5: {  	[sflag:s29] =	ssyncadd.s32 $0xFFFFFFFF  }
0xb6: {  	_ =	strace $0x90000048  }
0xb7: {  	_ =	sfence  }
0xb8: {  	s30 =	sld [smem:$0x0];
	_ =	sdelay $0x2  }
0xb9: {  	s31 =	sshll.u32 s1, $0xD;
	s1 =	sshrl.u32 s1, $0x2  }
0xba: {  	s3 =	sand.u32 $0x4000, s31;
	s1 =	sadd.s32 s1, s30  }
0xbb: {  	s0 =	sor.u32 s3, s0;
	s1 =	sshll.u32 s1, $0x11  }
0xbc: {  	s0 =	sor.u32 s1, s0  }
0xbd: {  	s0 =	sadd.s32 $0x8F2B, s0  }
0xbe: {  	[sflag:s0] =	ssyncadd.remote.s32 $0x1  }
0xbf: {  	_ =	sfence.sel $0xFFFF  }
0xc0: {  	[dreg:$0x0] =	wrdreg $0xFFFFFFFF;
	(pc) =	sbr.abs _section_cstart, $3  }
0xc1: {  	[dreg:$0x1] =	wrdreg $0xFFFFFFFF  }
0xc2: {  	_ =	task.clear_ibuf [dreg:s7], $0x2FFFF;
	_ =	strace $0x9FFFFFFF  }
0xc3: {  	(tm) =	ssettm $0x7FFFFFFF  }
tec
execute0_lowered:
.L_overlay_start_1:
0x0: {  	(tag) =	ssettag $0x1  }
0x1: {  	s7 =	rddreg [dreg:$0x0]  }
0x2: {  	s5 =	rddreg [dreg:$0x1];
	s0 =	stileid.u32  }
0x3: {  	s1 =	srdreg.scid;
	s2 =	rddreg [dreg:$0x2]  }
0x4: {  	s3 =	simm.s32 $0x0;
	s13 =	simm.s32 $0x80;
	s14 =	simm.s32 $0x100  }
0x5: {  	s15 =	simm.s32 $0x180;
	s16 =	simm.s32 $0x1;
	s17 =	simm.s32 $0x0  }
0x6: {  	s4 =	smul.u32 $0x14000, s0;
	s6 =	sand.u32 $0x1, s1;
	s1 =	rddreg [dreg:$0x3]  }
0x7: {  	[smem:$0x7FF] =	sst s3;
	s11 =	smul.u32 $0x50000, s0;
	s31 =	sshll.u32 s0, $0x6  }
0x8: {  	s8 =	smul.u32 $0x140000, s6;
	_ =	strace $0x80000047;
	s10 =	ssub.s32 $0x2, s6  }
0x9: {  	s6 =	sshll.u32 s6, $0x4;
	s9 =	sshrl.u32 s4, $0x3;
	s28 =	sshrl.u32 s10, $0x1  }
0xa: {  	s6 =	sor.u32 s0, s6;
	s29 =	sshrl.u32 s11, $0x2;
	s11 =	simm.s32 $0x2  }
0xb: {  	s8 =	sadd.s32 s4, s8;
	s4 =	sadd.s32 $0xC000, s5;
	s9 =	sadd.s32 s9, s5  }
0xc: {  	s10 =	ssub.s32 s10, s28;
	s30 =	smul.u32 $0x500, s6;
	s8 =	sshrl.u32 s8, $0x3  }
0xd: {  	s12 =	sadd.s32 s29, s2;
	s6 =	sor.u32 $0x1C02, s31;
	s8 =	sadd.s32 s8, s5  }
0xe: {  	s5 =	sadd.s32 $0xC800, s9;
	s7 =	sadd.s32 s7, s30;
	s9 =	smax.u32 s10, $0x1  }
0xf: {  	s10 =	sshrl.u32 s12, $0x3;
	s12 =	simm.s32 $0x2800;
	s8 =	sadd.s32 $0x34800, s8  }
.LBB2_1:
0x10: {  	[spmem:s10], [sflag:s6] =	dma.local [hbm:s5], $0x2800  }
0x11: {  	_ =	swait.ge [sflag:s11], $0x2800  }
0x12: {  	[sflag:s11] =	ssyncset.done $0x0  }
0x13: {  	[sflag:s11] =	ssyncadd.s32 $0xFFFFD800  }
0x14: {  	[tilespmem:s12], [sflag:$0x2] =	stream.linear.gather [hbm4b:s4+s3], $0x4000, $0x38;
	[tilespmem:$0x1A800] =	vst v63  }
0x15: {  	_ =	swait.ge [sflag:s11], $0x4000  }
0x16: {  	[sflag:s11] =	ssyncset.done $0x0  }
0x17: {  	[sflag:s11] =	ssyncadd.s32 $0xFFFFC000  }
0x18: {  	[tilespmem:s3], [sflag:$0x2] =	stream.linear.gather [hbm4b:s7+s3], $0x2800, $0x38;
	[tilespmem:$0x1A800] =	vst v63  }
0x19: {  	_ =	swait.ge [sflag:s11], $0x2800  }
0x1a: {  	[sflag:s11] =	ssyncset.done $0x0  }
0x1b: {  	[sflag:s11] =	ssyncadd.s32 $0xFFFFD800  }
0x1c: {  	[bflag:$0x0] =	sbarrier.arrive $0xFFFF  }
0x1d: {  	[spmem:s2] =	stream.indirect.scatter.add.f32 [tilespmem:s12], [sflag:$0x1], $0x80, s3, s13, $0xb8;
	[tilespmem:$0x1A800] =	vst v63  }
0x1e: {  	_ = 	snop  }
0x1f: {  	[spmem:s2] =	stream.indirect.scatter.add.f32 [tilespmem:s12], [sflag:$0x1], $0x80, s13, s13, $0xb8;
	[tilespmem:$0x1A800] =	vst v63  }
0x20: {  	_ = 	snop  }
0x21: {  	[spmem:s2] =	stream.indirect.scatter.add.f32 [tilespmem:s12], [sflag:$0x1], $0x80, s14, s13, $0xb8;
	[tilespmem:$0x1A800] =	vst v63  }
0x22: {  	_ = 	snop  }
0x23: {  	[spmem:s2] =	stream.indirect.scatter.add.f32 [tilespmem:s12], [sflag:$0x1], $0x80, s15, s13, $0xb8;
	[tilespmem:$0x1A800] =	vst v63  }
0x24: {  	s18 =	simm.s32 $0x200  }
0x25: {  	[spmem:s2] =	stream.indirect.scatter.add.f32 [tilespmem:s12], [sflag:$0x1], $0x80, s18, s13, $0xb8;
	[tilespmem:$0x1A800] =	vst v63  }
0x26: {  	_ =	swait.ge [sflag:s16], $0x4000  }
0x27: {  	s18 =	simm.s32 $0xA00;
	[sflag:s16] =	ssyncset.done $0x0  }
.LBB2_2:
0x28: {  	s19 =	sshra.s32 s18, $0x2;
	[sflag:s16] =	ssyncadd.s32 $0xFFFFC000;
	p0 =	sne.s32 s18, $0x9E00  }
0x29: {  	[spmem:s2] =	stream.indirect.scatter.add.f32 [tilespmem:s12], [sflag:$0x1], $0x80, s19, s13, $0xb8;
	[tilespmem:$0x1A800] =	vst v63  }
.Ltmp0:
0x2a: {  	_ = 	snop;
	(pc) =	sbr.rel @p0 .LBB2_2-.Ltmp0, $4  }
0x2b: {  	_ = 	snop  }
0x2c: {  	s18 =	sadd.s32 $0x200, s18  }
0x2d: {  	_ =	swait.ge [sflag:s16], $0x4000  }
0x2e: {  	[sflag:s16] =	ssyncset.done $0x0  }
0x2f: {  	[sflag:s16] =	ssyncadd.s32 $0xFFFFC000  }
0x30: {  	_ =	swait.ge [sflag:s16], $0x4000  }
0x31: {  	[sflag:s16] =	ssyncset.done $0x0  }
0x32: {  	[sflag:s16] =	ssyncadd.s32 $0xFFFFC000  }
0x33: {  	_ =	swait.ge [sflag:s16], $0x4000  }
0x34: {  	[sflag:s16] =	ssyncset.done $0x0  }
0x35: {  	[sflag:s16] =	ssyncadd.s32 $0xFFFFC000  }
0x36: {  	_ =	swait.ge [sflag:s16], $0x4000  }
0x37: {  	[sflag:s16] =	ssyncset.done $0x0  }
0x38: {  	[sflag:s16] =	ssyncadd.s32 $0xFFFFC000  }
0x39: {  	_ =	swait.ge [sflag:s16], $0x4000  }
0x3a: {  	s17 =	sadd.s32 $0x1, s17;
	[sflag:s16] =	ssyncset.done $0x0  }
0x3b: {  	p0 =	sne.s32 s17, s9;
	[sflag:s16] =	ssyncadd.s32 $0xFFFFC000  }
.Ltmp1:
0x3c: {  	[bflag:$0x0] =	sbarrier.arrive $0xFFFF;
	(pc) =	sbr.rel @p0 .LBB2_1-.Ltmp1, $4  }
0x3d: {  	[hbm:s8], [sflag:s6] =	dma.local [spmem:s10], $0x2800  }
0x3e: {  	_ =	swait.ge [sflag:s11], $0x2800  }
0x3f: {  	[sflag:s11] =	ssyncset.done $0x0  }
0x40: {  	[sflag:s11] =	ssyncadd.s32 $0xFFFFD800  }
0x41: {  	_ =	sfence.sel $0x180000  }
0x42: {  	[bflag:$0x0] =	sbarrier.arrive $0xFFFF  }
0x43: {  	p0 =	sne.s32 s0, $0x0;
	_ =	strace $0x90000047  }
0x44: {  	s0 =	sadd.s32 @!p0 $0x100000, s1;
	[bflag:$0x2] =	sbarrier.arrive $0xFFFF  }
0x45: {  	[sflag:s0] =	ssyncadd.tile.s32 @!p0 $0x1;
	_ =	shalt  }
.Lfunc_end2:
_tile_overlayer_lowered:
.L_overlay_start_2:
0x46: {  	(tag) =	ssettag $0x2  }
0x47: {  	s0 =	rddreg [dreg:$0x0];
	s2 =	stileid.u32  }
0x48: {  	s1 =	rddreg [dreg:$0x1];
	p0 =	sne.s32 s2, $0x0  }
0x49: {  	s3 =	rddreg [dreg:$0x2];
	[bflag:$0x3] =	sbarrier.arrive $0xFFFF;
	s2 =	simm.s32 @!p0 $0x1C02  }
0x4a: {  	[timem:s3], [sflag:s2] =	dma.local @!p0 [hbm:s0], s1  }
0x4b: {  	s0 =	simm.s32 @!p0 $0x2  }
0x4c: {  	_ =	swait.ge @!p0 [sflag:s0], s1  }
0x4d: {  	s1 =	ssub.s32 @!p0 $0x0, s1;
	[sflag:s0] =	ssyncset.done @!p0 $0x0  }
0x4e: {  	[sflag:s0] =	ssyncadd.s32 @!p0 s1  }
0x4f: {  	[bflag:$0x3] =	sbarrier.arrive $0xFFFF  }
0x50: {  	_ =	shalt  }

</sc_bundles>
